<compile_context>
chip_gen: v7x
topology: tpu7x:2x2x1
jax: 0.10.2.dev20260603
libtpu: 0.0.44.dev20260713+nightly
codegen_flags: <defaults>
</compile_context>

<pallas_src>
import functools

import jax
import jax.numpy as jnp
from jax import lax
from jax.experimental import pallas as pl
from jax.experimental.pallas import tpu as pltpu
from jax.experimental.pallas import tpu_sc as plsc

NC = 2
NS = 16
L = 16


@functools.lru_cache(maxsize=None)
def _build_sc_gather(v_pad: int, num_heads: int, area: int):
  nw = NC * NS
  area2 = area * area
  chunk = area2 // nw
  nrows = chunk // area
  piece = 512
  npiece = chunk // piece
  pvec = piece // L
  per_row = area // piece

  mesh = plsc.VectorSubcoreMesh(core_axis_name="c", subcore_axis_name="s")

  @functools.partial(
      pl.kernel,
      out_type=jax.ShapeDtypeStruct((1, num_heads, area, area), jnp.float32),
      mesh=mesh,
      scratch_types=[
          pltpu.VMEM((nrows, area), jnp.int32),
          pltpu.VMEM((num_heads, v_pad), jnp.float32),
          pltpu.VMEM((num_heads, piece), jnp.float32),
          pltpu.VMEM((num_heads, piece), jnp.float32),
          pltpu.SemaphoreType.DMA,
          pltpu.SemaphoreType.DMA,
      ],
      compiler_params=pltpu.CompilerParams(needs_layout_passes=False),
  )
  def sc_gather(table_t_hbm, idx_hbm, out_hbm, idx_v, tab_v, out_v0, out_v1,
                sem0, sem1):
    wid = lax.axis_index("s") * NC + lax.axis_index("c")
    row0 = wid * nrows
    idx_cp = pltpu.async_copy(idx_hbm.at[pl.ds(row0, nrows)], idx_v, sem0)
    tab_cp = pltpu.async_copy(table_t_hbm, tab_v, sem1)
    idx_cp.wait()
    tab_cp.wait()
    bufs = (out_v0, out_v1)
    sems = (sem0, sem1)

    def out_dst(pp):
      r = row0 + pp // per_row
      c = (pp % per_row) * piece
      return out_hbm.at[0, :, r, pl.ds(c, piece)]

    @pl.loop(0, npiece, step=2)
    def piece_loop(p):
      for k in range(2):
        buf, sem = bufs[k], sems[k]
        pp = p + k
        r = pp // per_row
        c = (pp % per_row) * piece

        @pl.when(pp >= 2)
        def _wait_prev():
          pltpu.make_async_copy(buf, out_dst(pp - 2), sem).wait()

        @plsc.parallel_loop(0, pvec, 1, unroll=4)
        def body(v):
          iv = idx_v[r, pl.ds(c + v * L, L)]
          for h in range(num_heads):
            hv = jnp.full((L,), h, jnp.int32)
            buf[h, pl.ds(v * L, L)] = plsc.load_gather(tab_v, [hv, iv])

        pltpu.async_copy(buf, out_dst(pp), sem)

    for k in range(2):
      pltpu.make_async_copy(bufs[k], out_dst(npiece - 2 + k), sems[k]).wait()

  return sc_gather


def kernel(relative_position_bias_table, relative_position_index):
  vocab, num_heads = relative_position_bias_table.shape
  area = relative_position_index.shape[0]
  v_pad = -(-vocab // 8) * 8
  table_t = jnp.zeros((num_heads, v_pad), jnp.float32)
  table_t = table_t.at[:, :vocab].set(relative_position_bias_table.T)
  idx = relative_position_index.astype(jnp.int32)
  return _build_sc_gather(v_pad, num_heads, area)(table_t, idx)

# --- scband reference (transcript-rebuilt; emitter-appended) ---
"""Pipeline reference for scband-relative-position-bias-69904887710023 (READ-ONLY COPY).

The authoritative reference and input builder live on the scoring server;
editing this copy changes nothing except your own understanding.
"""

import jax, jax.numpy as jnp
import numpy as np

WIN_H, WIN_W = 32, 32
NUM_HEADS = 16
ATTN_AREA = WIN_H * WIN_W


def _get_relative_position_index(win_h, win_w):
    coords = np.stack(np.meshgrid(np.arange(win_h), np.arange(win_w), indexing='ij'))
    coords_flatten = coords.reshape(2, -1)
    relative_coords = coords_flatten[:, :, None] - coords_flatten[:, None, :]
    relative_coords = relative_coords.transpose(1, 2, 0).copy()
    relative_coords[:, :, 0] += win_h - 1
    relative_coords[:, :, 1] += win_w - 1
    relative_coords[:, :, 0] *= 2 * win_w - 1
    return relative_coords.sum(-1)


def setup_inputs(seed: int = 0):
    key = jax.random.key(seed)
    table = jax.random.normal(key, ((2 * WIN_H - 1) * (2 * WIN_W - 1), NUM_HEADS), dtype=jnp.float32) * 0.02
    idx = jnp.asarray(_get_relative_position_index(WIN_H, WIN_W), dtype=jnp.int64)
    return {"relative_position_bias_table": table, "relative_position_index": idx}


def reference(relative_position_bias_table, relative_position_index):
    # gather: table[idx] -> [attn_area*attn_area, num_heads]
    bias = jnp.take(relative_position_bias_table, relative_position_index.reshape(-1), axis=0)
    bias = bias.reshape(ATTN_AREA, ATTN_AREA, -1)
    bias = jnp.transpose(bias, (2, 0, 1))
    return bias[None, ...]

if __name__ == "__main__":
    import jax
    _d = setup_inputs()
    print(jax.jit(kernel)(*tuple(_d.values())))

</pallas_src>

<mosaic_0001>
#map = affine_map<(d0, d1) -> (0, 0)>
#map1 = affine_map<(d0, d1) -> (0, 0, 0, 0)>
module attributes {stable_mosaic.version = 14 : i64} {
  func.func @sc_gather(%arg0: i32, %arg1: i32, %arg2: memref<16x3976xf32, #tpu.memory_space<hbm>>, %arg3: memref<1024x1024xi32, #tpu.memory_space<hbm>>, %arg4: memref<1x16x1024x1024xf32, #tpu.memory_space<hbm>>, %arg5: memref<32x1024xi32, #tpu.memory_space<vmem>>, %arg6: memref<16x3976xf32, #tpu.memory_space<vmem>>, %arg7: memref<16x512xf32, #tpu.memory_space<vmem>>, %arg8: memref<16x512xf32, #tpu.memory_space<vmem>>, %arg9: memref<!tpu.dma_semaphore, #tpu.memory_space<semaphore_mem>>, %arg10: memref<!tpu.dma_semaphore, #tpu.memory_space<semaphore_mem>>) attributes {dimension_semantics = [#tpu.dimension_semantics<core_parallel>, #tpu.dimension_semantics<subcore_parallel>], iteration_bounds = array<i64: 2, 16>, scalar_prefetch = 0 : i64, scratch_operands = 6 : i64, tpu.core_type = #tpu.core_type<sc_vector_subcore>, window_params = [{transform_indices = #map}, {transform_indices = #map}, {transform_indices = #map1}]} {
    %mul3A = arith.constant 2 : i32
    %mul3A_0 = arith.muli %arg1, %mul3A : i32
    %add3A = arith.addi %mul3A_0, %arg0 : i32
    %mul3A_1 = arith.constant 32 : i32
    %mul3A_2 = arith.muli %add3A, %mul3A_1 : i32
    %dma_start3A = arith.constant 0 : i32
    %dma_start3A_3 = tpu.memref_slice %arg3[%mul3A_2, %dma_start3A] : memref<1024x1024xi32, #tpu.memory_space<hbm>> -> memref<32x1024xi32, #tpu.memory_space<hbm>>
    %dma_start3A_4 = arith.constant 0 : i32
    %dma_start3A_5 = tpu.memref_slice %arg3[%mul3A_2, %dma_start3A_4] : memref<1024x1024xi32, #tpu.memory_space<hbm>> -> memref<32x1024xi32, #tpu.memory_space<hbm>>
    tpu.enqueue_dma source(%dma_start3A_5 : memref<32x1024xi32, #tpu.memory_space<hbm>>) target(%arg5 : memref<32x1024xi32, #tpu.memory_space<vmem>>) target_semaphore(%arg9 : memref<!tpu.dma_semaphore, #tpu.memory_space<semaphore_mem>>)
    tpu.enqueue_dma source(%arg2 : memref<16x3976xf32, #tpu.memory_space<hbm>>) target(%arg6 : memref<16x3976xf32, #tpu.memory_space<vmem>>) target_semaphore(%arg10 : memref<!tpu.dma_semaphore, #tpu.memory_space<semaphore_mem>>)
    %dma_wait3A = arith.constant 0 : i32
    %dma_wait3A_6 = tpu.memref_slice %arg3[%mul3A_2, %dma_wait3A] : memref<1024x1024xi32, #tpu.memory_space<hbm>> -> memref<32x1024xi32, #tpu.memory_space<hbm>>
    %dma_wait3A_7 = arith.constant 0 : i32
    %dma_wait3A_8 = tpu.memref_slice %arg3[%mul3A_2, %dma_wait3A_7] : memref<1024x1024xi32, #tpu.memory_space<hbm>> -> memref<32x1024xi32, #tpu.memory_space<hbm>>
    tpu.wait_dma2 semaphore(%arg9 : memref<!tpu.dma_semaphore, #tpu.memory_space<semaphore_mem>>) src(%dma_wait3A_8 : memref<32x1024xi32, #tpu.memory_space<hbm>>) dst(%arg5 : memref<32x1024xi32, #tpu.memory_space<vmem>>)
    tpu.wait_dma2 semaphore(%arg10 : memref<!tpu.dma_semaphore, #tpu.memory_space<semaphore_mem>>) src(%arg2 : memref<16x3976xf32, #tpu.memory_space<hbm>>) dst(%arg6 : memref<16x3976xf32, #tpu.memory_space<vmem>>)
    %scan3A = arith.constant 0 : i32
    %scan3A_9 = arith.constant 32 : i32
    %scan3A_10 = arith.addi %scan3A, %scan3A_9 : i32
    %scan3A_11 = arith.constant 1 : i32
    scf.for %scan3A_35 = %scan3A to %scan3A_10 step %scan3A_11  : i32 {
      %mul3A_36 = arith.constant 2 : i32
      %mul3A_37 = arith.muli %scan3A_35, %mul3A_36 : i32
      %add3A_38 = arith.constant 0 : i32
      %add3A_39 = arith.addi %add3A_38, %mul3A_37 : i32
      %add3A_40 = arith.constant 0 : i32
      %add3A_41 = arith.addi %add3A_39, %add3A_40 : i32
      %jit3A = arith.constant 2 : i32
      %div3A = arith.divsi %add3A_41, %jit3A : i32
      %sign3A = arith.constant 0 : i32
      %sign3A_42 = arith.cmpi sgt, %add3A_41, %sign3A : i32
      %sign3A_43 = arith.extui %sign3A_42 : i1 to i32
      %sign3A_44 = arith.constant 0 : i32
      %sign3A_45 = arith.cmpi slt, %add3A_41, %sign3A_44 : i32
      %sign3A_46 = arith.extui %sign3A_45 : i1 to i32
      %sign3A_47 = arith.subi %sign3A_43, %sign3A_46 : i32
      %sign3A_48 = arith.constant 0 : i32
      %sign3A_49 = arith.cmpi sgt, %jit3A, %sign3A_48 : i32
      %sign3A_50 = arith.extui %sign3A_49 : i1 to i32
      %sign3A_51 = arith.constant 0 : i32
      %sign3A_52 = arith.cmpi slt, %jit3A, %sign3A_51 : i32
      %sign3A_53 = arith.extui %sign3A_52 : i1 to i32
      %sign3A_54 = arith.subi %sign3A_50, %sign3A_53 : i32
      %ne3A = arith.cmpi ne, %sign3A_47, %sign3A_54 : i32
      %rem3A = arith.remsi %add3A_41, %jit3A : i32
      %ne3A_55 = arith.constant 0 : i32
      %ne3A_56 = arith.cmpi ne, %rem3A, %ne3A_55 : i32
      %and3A = arith.andi %ne3A, %ne3A_56 : i1
      %sub3A = arith.constant 1 : i32
      %sub3A_57 = arith.subi %div3A, %sub3A : i32
      %select_n3A = arith.select %and3A, %sub3A_57, %div3A : i32
      %jit3A_58 = arith.constant 2 : i32
      %eq3A = arith.constant 0 : i32
      %eq3A_59 = arith.cmpi eq, %jit3A_58, %eq3A : i32
      %jit3A_60 = arith.constant 1 : i32
      %select_n3A_61 = arith.select %eq3A_59, %jit3A_60, %jit3A_58 : i32
      %rem3A_62 = arith.remsi %add3A_41, %select_n3A_61 : i32
      %ne3A_63 = arith.constant 0 : i32
      %ne3A_64 = arith.cmpi ne, %rem3A_62, %ne3A_63 : i32
      %lt3A = arith.constant 0 : i32
      %lt3A_65 = arith.cmpi slt, %rem3A_62, %lt3A : i32
      %lt3A_66 = arith.constant 0 : i32
      %lt3A_67 = arith.cmpi slt, %select_n3A_61, %lt3A_66 : i32
      %ne3A_68 = arith.xori %lt3A_65, %lt3A_67 : i1
      %and3A_69 = arith.andi %ne3A_68, %ne3A_64 : i1
      %add3A_70 = arith.addi %rem3A_62, %select_n3A_61 : i32
      %select_n3A_71 = arith.select %and3A_69, %add3A_70, %rem3A_62 : i32
      %mul3A_72 = arith.constant 512 : i32
      %mul3A_73 = arith.muli %select_n3A_71, %mul3A_72 : i32
      %ge3A = arith.constant 2 : i32
      %ge3A_74 = arith.cmpi sge, %add3A_41, %ge3A : i32
      %convert_element_type3A = arith.extui %ge3A_74 : i1 to i32
      %cond3A = arith.constant 0 : i32
      %cond3A_75 = arith.cmpi ne, %convert_element_type3A, %cond3A : i32
      scf.if %cond3A_75 {
        %sub3A_230 = arith.constant 2 : i32
        %sub3A_231 = arith.subi %add3A_41, %sub3A_230 : i32
        %jit3A_232 = arith.constant 2 : i32
        %div3A_233 = arith.divsi %sub3A_231, %jit3A_232 : i32
        %sign3A_234 = arith.constant 0 : i32
        %sign3A_235 = arith.cmpi sgt, %sub3A_231, %sign3A_234 : i32
        %sign3A_236 = arith.extui %sign3A_235 : i1 to i32
        %sign3A_237 = arith.constant 0 : i32
        %sign3A_238 = arith.cmpi slt, %sub3A_231, %sign3A_237 : i32
        %sign3A_239 = arith.extui %sign3A_238 : i1 to i32
        %sign3A_240 = arith.subi %sign3A_236, %sign3A_239 : i32
        %sign3A_241 = arith.constant 0 : i32
        %sign3A_242 = arith.cmpi sgt, %jit3A_232, %sign3A_241 : i32
        %sign3A_243 = arith.extui %sign3A_242 : i1 to i32
        %sign3A_244 = arith.constant 0 : i32
        %sign3A_245 = arith.cmpi slt, %jit3A_232, %sign3A_244 : i32
        %sign3A_246 = arith.extui %sign3A_245 : i1 to i32
        %sign3A_247 = arith.subi %sign3A_243, %sign3A_246 : i32
        %ne3A_248 = arith.cmpi ne, %sign3A_240, %sign3A_247 : i32
        %rem3A_249 = arith.remsi %sub3A_231, %jit3A_232 : i32
        %ne3A_250 = arith.constant 0 : i32
        %ne3A_251 = arith.cmpi ne, %rem3A_249, %ne3A_250 : i32
        %and3A_252 = arith.andi %ne3A_248, %ne3A_251 : i1
        %sub3A_253 = arith.constant 1 : i32
        %sub3A_254 = arith.subi %div3A_233, %sub3A_253 : i32
        %select_n3A_255 = arith.select %and3A_252, %sub3A_254, %div3A_233 : i32
        %add3A_256 = arith.addi %mul3A_2, %select_n3A_255 : i32
        %jit3A_257 = arith.constant 2 : i32
        %eq3A_258 = arith.constant 0 : i32
        %eq3A_259 = arith.cmpi eq, %jit3A_257, %eq3A_258 : i32
        %jit3A_260 = arith.constant 1 : i32
        %select_n3A_261 = arith.select %eq3A_259, %jit3A_260, %jit3A_257 : i32
        %rem3A_262 = arith.remsi %sub3A_231, %select_n3A_261 : i32
        %ne3A_263 = arith.constant 0 : i32
        %ne3A_264 = arith.cmpi ne, %rem3A_262, %ne3A_263 : i32
        %lt3A_265 = arith.constant 0 : i32
        %lt3A_266 = arith.cmpi slt, %rem3A_262, %lt3A_265 : i32
        %lt3A_267 = arith.constant 0 : i32
        %lt3A_268 = arith.cmpi slt, %select_n3A_261, %lt3A_267 : i32
        %ne3A_269 = arith.xori %lt3A_266, %lt3A_268 : i1
        %and3A_270 = arith.andi %ne3A_269, %ne3A_264 : i1
        %add3A_271 = arith.addi %rem3A_262, %select_n3A_261 : i32
        %select_n3A_272 = arith.select %and3A_270, %add3A_271, %rem3A_262 : i32
        %mul3A_273 = arith.constant 512 : i32
        %mul3A_274 = arith.muli %select_n3A_272, %mul3A_273 : i32
        %dma_wait3A_275 = arith.constant 0 : i32
        %dma_wait3A_276 = arith.constant 0 : i32
        %dma_wait3A_277 = tpu.memref_slice %arg4[%dma_wait3A_275, %dma_wait3A_276, %add3A_256, %mul3A_274] : memref<1x16x1024x1024xf32, #tpu.memory_space<hbm>> -> memref<1x16x1x512xf32, #tpu.memory_space<hbm>>
        %dma_wait3A_278 = tpu.memref_squeeze %dma_wait3A_277 : memref<1x16x1x512xf32, #tpu.memory_space<hbm>> -> memref<16x512xf32, #tpu.memory_space<hbm>>
        %dma_wait3A_279 = arith.constant 0 : i32
        %dma_wait3A_280 = tpu.memref_slice %arg4[%dma_wait3A_275, %dma_wait3A_279, %add3A_256, %mul3A_274] : memref<1x16x1024x1024xf32, #tpu.memory_space<hbm>> -> memref<1x16x1x512xf32, #tpu.memory_space<hbm>>
        %dma_wait3A_281 = tpu.memref_squeeze %dma_wait3A_280 : memref<1x16x1x512xf32, #tpu.memory_space<hbm>> -> memref<16x512xf32, #tpu.memory_space<hbm>>
        tpu.wait_dma2 semaphore(%arg9 : memref<!tpu.dma_semaphore, #tpu.memory_space<semaphore_mem>>) src(%arg7 : memref<16x512xf32, #tpu.memory_space<vmem>>) dst(%dma_wait3A_281 : memref<16x512xf32, #tpu.memory_space<hbm>>)
      } else {
      }
      %parallel_loop3A = arith.constant 0 : i32
      %parallel_loop3A_76 = arith.constant 32 : i32
      %parallel_loop3A_77 = arith.constant 1 : i32
      scf.for %parallel_loop3A_230 = %parallel_loop3A to %parallel_loop3A_76 step %parallel_loop3A_77  : i32 {
        %parallel_loop3A_231 = arith.constant 16 : i32
        %parallel_loop3A_232 = arith.muli %parallel_loop3A_230, %parallel_loop3A_231 : i32
        %parallel_loop3A_233 = arith.addi %mul3A_73, %parallel_loop3A_232 : i32
        %parallel_loop3A_234 = arith.index_cast %select_n3A : i32 to index
        %parallel_loop3A_235 = arith.index_cast %parallel_loop3A_233 : i32 to index
        %parallel_loop3A_236 = tpu.vector_load %arg5[%parallel_loop3A_234, %parallel_loop3A_235] {strides = array<i32>} : memref<32x1024xi32, #tpu.memory_space<vmem>>, vector<16xi32>,
        %parallel_loop3A_237 = arith.constant 0 : i32
        %parallel_loop3A_238 = vector.broadcast %parallel_loop3A_237 : i32 to vector<16xi32>
        %parallel_loop3A_239 = tpu.vector_load_idx %arg6[%parallel_loop3A_238, %parallel_loop3A_236] : memref<16x3976xf32, #tpu.memory_space<vmem>>[vector<16xi32>, vector<16xi32>], vector<16xf32>,
        %parallel_loop3A_240 = arith.constant 16 : i32
        %parallel_loop3A_241 = arith.muli %parallel_loop3A_230, %parallel_loop3A_240 : i32
        %parallel_loop3A_242 = arith.constant 0 : i32
        %parallel_loop3A_243 = arith.index_cast %parallel_loop3A_242 : i32 to index
        %parallel_loop3A_244 = arith.index_cast %parallel_loop3A_241 : i32 to index
        %parallel_loop3A_245 = tpu.vector_load %arg7[%parallel_loop3A_243, %parallel_loop3A_244] {strides = array<i32>} : memref<16x512xf32, #tpu.memory_space<vmem>>, vector<16xf32>,
        tpu.vector_store %arg7[%parallel_loop3A_243, %parallel_loop3A_244], %parallel_loop3A_239 {strides = array<i32>} : memref<16x512xf32, #tpu.memory_space<vmem>>, vector<16xf32>,
        %parallel_loop3A_246 = arith.constant 1 : i32
        %parallel_loop3A_247 = vector.broadcast %parallel_loop3A_246 : i32 to vector<16xi32>
        %parallel_loop3A_248 = tpu.vector_load_idx %arg6[%parallel_loop3A_247, %parallel_loop3A_236] : memref<16x3976xf32, #tpu.memory_space<vmem>>[vector<16xi32>, vector<16xi32>], vector<16xf32>,
        %parallel_loop3A_249 = arith.constant 16 : i32
        %parallel_loop3A_250 = arith.muli %parallel_loop3A_230, %parallel_loop3A_249 : i32
        %parallel_loop3A_251 = arith.constant 1 : i32
        %parallel_loop3A_252 = arith.index_cast %parallel_loop3A_251 : i32 to index
        %parallel_loop3A_253 = arith.index_cast %parallel_loop3A_250 : i32 to index
        %parallel_loop3A_254 = tpu.vector_load %arg7[%parallel_loop3A_252, %parallel_loop3A_253] {strides = array<i32>} : memref<16x512xf32, #tpu.memory_space<vmem>>, vector<16xf32>,
        tpu.vector_store %arg7[%parallel_loop3A_252, %parallel_loop3A_253], %parallel_loop3A_248 {strides = array<i32>} : memref<16x512xf32, #tpu.memory_space<vmem>>, vector<16xf32>,
        %parallel_loop3A_255 = arith.constant 2 : i32
        %parallel_loop3A_256 = vector.broadcast %parallel_loop3A_255 : i32 to vector<16xi32>
        %parallel_loop3A_257 = tpu.vector_load_idx %arg6[%parallel_loop3A_256, %parallel_loop3A_236] : memref<16x3976xf32, #tpu.memory_space<vmem>>[vector<16xi32>, vector<16xi32>], vector<16xf32>,
        %parallel_loop3A_258 = arith.constant 16 : i32
        %parallel_loop3A_259 = arith.muli %parallel_loop3A_230, %parallel_loop3A_258 : i32
        %parallel_loop3A_260 = arith.constant 2 : i32
        %parallel_loop3A_261 = arith.index_cast %parallel_loop3A_260 : i32 to index
        %parallel_loop3A_262 = arith.index_cast %parallel_loop3A_259 : i32 to index
        %parallel_loop3A_263 = tpu.vector_load %arg7[%parallel_loop3A_261, %parallel_loop3A_262] {strides = array<i32>} : memref<16x512xf32, #tpu.memory_space<vmem>>, vector<16xf32>,
        tpu.vector_store %arg7[%parallel_loop3A_261, %parallel_loop3A_262], %parallel_loop3A_257 {strides = array<i32>} : memref<16x512xf32, #tpu.memory_space<vmem>>, vector<16xf32>,
        %parallel_loop3A_264 = arith.constant 3 : i32
        %parallel_loop3A_265 = vector.broadcast %parallel_loop3A_264 : i32 to vector<16xi32>
        %parallel_loop3A_266 = tpu.vector_load_idx %arg6[%parallel_loop3A_265, %parallel_loop3A_236] : memref<16x3976xf32, #tpu.memory_space<vmem>>[vector<16xi32>, vector<16xi32>], vector<16xf32>,
        %parallel_loop3A_267 = arith.constant 16 : i32
        %parallel_loop3A_268 = arith.muli %parallel_loop3A_230, %parallel_loop3A_267 : i32
        %parallel_loop3A_269 = arith.constant 3 : i32
        %parallel_loop3A_270 = arith.index_cast %parallel_loop3A_269 : i32 to index
        %parallel_loop3A_271 = arith.index_cast %parallel_loop3A_268 : i32 to index
        %parallel_loop3A_272 = tpu.vector_load %arg7[%parallel_loop3A_270, %parallel_loop3A_271] {strides = array<i32>} : memref<16x512xf32, #tpu.memory_space<vmem>>, vector<16xf32>,
        tpu.vector_store %arg7[%parallel_loop3A_270, %parallel_loop3A_271], %parallel_loop3A_266 {strides = array<i32>} : memref<16x512xf32, #tpu.memory_space<vmem>>, vector<16xf32>,
        %parallel_loop3A_273 = arith.constant 4 : i32
        %parallel_loop3A_274 = vector.broadcast %parallel_loop3A_273 : i32 to vector<16xi32>
        %parallel_loop3A_275 = tpu.vector_load_idx %arg6[%parallel_loop3A_274, %parallel_loop3A_236] : memref<16x3976xf32, #tpu.memory_space<vmem>>[vector<16xi32>, vector<16xi32>], vector<16xf32>,
        %parallel_loop3A_276 = arith.constant 16 : i32
        %parallel_loop3A_277 = arith.muli %parallel_loop3A_230, %parallel_loop3A_276 : i32
        %parallel_loop3A_278 = arith.constant 4 : i32
        %parallel_loop3A_279 = arith.index_cast %parallel_loop3A_278 : i32 to index
        %parallel_loop3A_280 = arith.index_cast %parallel_loop3A_277 : i32 to index
        %parallel_loop3A_281 = tpu.vector_load %arg7[%parallel_loop3A_279, %parallel_loop3A_280] {strides = array<i32>} : memref<16x512xf32, #tpu.memory_space<vmem>>, vector<16xf32>,
        tpu.vector_store %arg7[%parallel_loop3A_279, %parallel_loop3A_280], %parallel_loop3A_275 {strides = array<i32>} : memref<16x512xf32, #tpu.memory_space<vmem>>, vector<16xf32>,
        %parallel_loop3A_282 = arith.constant 5 : i32
        %parallel_loop3A_283 = vector.broadcast %parallel_loop3A_282 : i32 to vector<16xi32>
        %parallel_loop3A_284 = tpu.vector_load_idx %arg6[%parallel_loop3A_283, %parallel_loop3A_236] : memref<16x3976xf32, #tpu.memory_space<vmem>>[vector<16xi32>, vector<16xi32>], vector<16xf32>,
        %parallel_loop3A_285 = arith.constant 16 : i32
        %parallel_loop3A_286 = arith.muli %parallel_loop3A_230, %parallel_loop3A_285 : i32
        %parallel_loop3A_287 = arith.constant 5 : i32
        %parallel_loop3A_288 = arith.index_cast %parallel_loop3A_287 : i32 to index
        %parallel_loop3A_289 = arith.index_cast %parallel_loop3A_286 : i32 to index
        %parallel_loop3A_290 = tpu.vector_load %arg7[%parallel_loop3A_288, %parallel_loop3A_289] {strides = array<i32>} : memref<16x512xf32, #tpu.memory_space<vmem>>, vector<16xf32>,
        tpu.vector_store %arg7[%parallel_loop3A_288, %parallel_loop3A_289], %parallel_loop3A_284 {strides = array<i32>} : memref<16x512xf32, #tpu.memory_space<vmem>>, vector<16xf32>,
        %parallel_loop3A_291 = arith.constant 6 : i32
        %parallel_loop3A_292 = vector.broadcast %parallel_loop3A_291 : i32 to vector<16xi32>
        %parallel_loop3A_293 = tpu.vector_load_idx %arg6[%parallel_loop3A_292, %parallel_loop3A_236] : memref<16x3976xf32, #tpu.memory_space<vmem>>[vector<16xi32>, vector<16xi32>], vector<16xf32>,
        %parallel_loop3A_294 = arith.constant 16 : i32
        %parallel_loop3A_295 = arith.muli %parallel_loop3A_230, %parallel_loop3A_294 : i32
        %parallel_loop3A_296 = arith.constant 6 : i32
        %parallel_loop3A_297 = arith.index_cast %parallel_loop3A_296 : i32 to index
        %parallel_loop3A_298 = arith.index_cast %parallel_loop3A_295 : i32 to index
        %parallel_loop3A_299 = tpu.vector_load %arg7[%parallel_loop3A_297, %parallel_loop3A_298] {strides = array<i32>} : memref<16x512xf32, #tpu.memory_space<vmem>>, vector<16xf32>,
        tpu.vector_store %arg7[%parallel_loop3A_297, %parallel_loop3A_298], %parallel_loop3A_293 {strides = array<i32>} : memref<16x512xf32, #tpu.memory_space<vmem>>, vector<16xf32>,
        %parallel_loop3A_300 = arith.constant 7 : i32
        %parallel_loop3A_301 = vector.broadcast %parallel_loop3A_300 : i32 to vector<16xi32>
        %parallel_loop3A_302 = tpu.vector_load_idx %arg6[%parallel_loop3A_301, %parallel_loop3A_236] : memref<16x3976xf32, #tpu.memory_space<vmem>>[vector<16xi32>, vector<16xi32>], vector<16xf32>,
        %parallel_loop3A_303 = arith.constant 16 : i32
        %parallel_loop3A_304 = arith.muli %parallel_loop3A_230, %parallel_loop3A_303 : i32
        %parallel_loop3A_305 = arith.constant 7 : i32
        %parallel_loop3A_306 = arith.index_cast %parallel_loop3A_305 : i32 to index
        %parallel_loop3A_307 = arith.index_cast %parallel_loop3A_304 : i32 to index
        %parallel_loop3A_308 = tpu.vector_load %arg7[%parallel_loop3A_306, %parallel_loop3A_307] {strides = array<i32>} : memref<16x512xf32, #tpu.memory_space<vmem>>, vector<16xf32>,
        tpu.vector_store %arg7[%parallel_loop3A_306, %parallel_loop3A_307], %parallel_loop3A_302 {strides = array<i32>} : memref<16x512xf32, #tpu.memory_space<vmem>>, vector<16xf32>,
        %parallel_loop3A_309 = arith.constant 8 : i32
        %parallel_loop3A_310 = vector.broadcast %parallel_loop3A_309 : i32 to vector<16xi32>
        %parallel_loop3A_311 = tpu.vector_load_idx %arg6[%parallel_loop3A_310, %parallel_loop3A_236] : memref<16x3976xf32, #tpu.memory_space<vmem>>[vector<16xi32>, vector<16xi32>], vector<16xf32>,
        %parallel_loop3A_312 = arith.constant 16 : i32
        %parallel_loop3A_313 = arith.muli %parallel_loop3A_230, %parallel_loop3A_312 : i32
        %parallel_loop3A_314 = arith.constant 8 : i32
        %parallel_loop3A_315 = arith.index_cast %parallel_loop3A_314 : i32 to index
        %parallel_loop3A_316 = arith.index_cast %parallel_loop3A_313 : i32 to index
        %parallel_loop3A_317 = tpu.vector_load %arg7[%parallel_loop3A_315, %parallel_loop3A_316] {strides = array<i32>} : memref<16x512xf32, #tpu.memory_space<vmem>>, vector<16xf32>,
        tpu.vector_store %arg7[%parallel_loop3A_315, %parallel_loop3A_316], %parallel_loop3A_311 {strides = array<i32>} : memref<16x512xf32, #tpu.memory_space<vmem>>, vector<16xf32>,
        %parallel_loop3A_318 = arith.constant 9 : i32
        %parallel_loop3A_319 = vector.broadcast %parallel_loop3A_318 : i32 to vector<16xi32>
        %parallel_loop3A_320 = tpu.vector_load_idx %arg6[%parallel_loop3A_319, %parallel_loop3A_236] : memref<16x3976xf32, #tpu.memory_space<vmem>>[vector<16xi32>, vector<16xi32>], vector<16xf32>,
        %parallel_loop3A_321 = arith.constant 16 : i32
        %parallel_loop3A_322 = arith.muli %parallel_loop3A_230, %parallel_loop3A_321 : i32
        %parallel_loop3A_323 = arith.constant 9 : i32
        %parallel_loop3A_324 = arith.index_cast %parallel_loop3A_323 : i32 to index
        %parallel_loop3A_325 = arith.index_cast %parallel_loop3A_322 : i32 to index
        %parallel_loop3A_326 = tpu.vector_load %arg7[%parallel_loop3A_324, %parallel_loop3A_325] {strides = array<i32>} : memref<16x512xf32, #tpu.memory_space<vmem>>, vector<16xf32>,
        tpu.vector_store %arg7[%parallel_loop3A_324, %parallel_loop3A_325], %parallel_loop3A_320 {strides = array<i32>} : memref<16x512xf32, #tpu.memory_space<vmem>>, vector<16xf32>,
        %parallel_loop3A_327 = arith.constant 10 : i32
        %parallel_loop3A_328 = vector.broadcast %parallel_loop3A_327 : i32 to vector<16xi32>
        %parallel_loop3A_329 = tpu.vector_load_idx %arg6[%parallel_loop3A_328, %parallel_loop3A_236] : memref<16x3976xf32, #tpu.memory_space<vmem>>[vector<16xi32>, vector<16xi32>], vector<16xf32>,
        %parallel_loop3A_330 = arith.constant 16 : i32
        %parallel_loop3A_331 = arith.muli %parallel_loop3A_230, %parallel_loop3A_330 : i32
        %parallel_loop3A_332 = arith.constant 10 : i32
        %parallel_loop3A_333 = arith.index_cast %parallel_loop3A_332 : i32 to index
        %parallel_loop3A_334 = arith.index_cast %parallel_loop3A_331 : i32 to index
        %parallel_loop3A_335 = tpu.vector_load %arg7[%parallel_loop3A_333, %parallel_loop3A_334] {strides = array<i32>} : memref<16x512xf32, #tpu.memory_space<vmem>>, vector<16xf32>,
        tpu.vector_store %arg7[%parallel_loop3A_333, %parallel_loop3A_334], %parallel_loop3A_329 {strides = array<i32>} : memref<16x512xf32, #tpu.memory_space<vmem>>, vector<16xf32>,
        %parallel_loop3A_336 = arith.constant 11 : i32
        %parallel_loop3A_337 = vector.broadcast %parallel_loop3A_336 : i32 to vector<16xi32>
        %parallel_loop3A_338 = tpu.vector_load_idx %arg6[%parallel_loop3A_337, %parallel_loop3A_236] : memref<16x3976xf32, #tpu.memory_space<vmem>>[vector<16xi32>, vector<16xi32>], vector<16xf32>,
        %parallel_loop3A_339 = arith.constant 16 : i32
        %parallel_loop3A_340 = arith.muli %parallel_loop3A_230, %parallel_loop3A_339 : i32
        %parallel_loop3A_341 = arith.constant 11 : i32
        %parallel_loop3A_342 = arith.index_cast %parallel_loop3A_341 : i32 to index
        %parallel_loop3A_343 = arith.index_cast %parallel_loop3A_340 : i32 to index
        %parallel_loop3A_344 = tpu.vector_load %arg7[%parallel_loop3A_342, %parallel_loop3A_343] {strides = array<i32>} : memref<16x512xf32, #tpu.memory_space<vmem>>, vector<16xf32>,
        tpu.vector_store %arg7[%parallel_loop3A_342, %parallel_loop3A_343], %parallel_loop3A_338 {strides = array<i32>} : memref<16x512xf32, #tpu.memory_space<vmem>>, vector<16xf32>,
        %parallel_loop3A_345 = arith.constant 12 : i32
        %parallel_loop3A_346 = vector.broadcast %parallel_loop3A_345 : i32 to vector<16xi32>
        %parallel_loop3A_347 = tpu.vector_load_idx %arg6[%parallel_loop3A_346, %parallel_loop3A_236] : memref<16x3976xf32, #tpu.memory_space<vmem>>[vector<16xi32>, vector<16xi32>], vector<16xf32>,
        %parallel_loop3A_348 = arith.constant 16 : i32
        %parallel_loop3A_349 = arith.muli %parallel_loop3A_230, %parallel_loop3A_348 : i32
        %parallel_loop3A_350 = arith.constant 12 : i32
        %parallel_loop3A_351 = arith.index_cast %parallel_loop3A_350 : i32 to index
        %parallel_loop3A_352 = arith.index_cast %parallel_loop3A_349 : i32 to index
        %parallel_loop3A_353 = tpu.vector_load %arg7[%parallel_loop3A_351, %parallel_loop3A_352] {strides = array<i32>} : memref<16x512xf32, #tpu.memory_space<vmem>>, vector<16xf32>,
        tpu.vector_store %arg7[%parallel_loop3A_351, %parallel_loop3A_352], %parallel_loop3A_347 {strides = array<i32>} : memref<16x512xf32, #tpu.memory_space<vmem>>, vector<16xf32>,
        %parallel_loop3A_354 = arith.constant 13 : i32
        %parallel_loop3A_355 = vector.broadcast %parallel_loop3A_354 : i32 to vector<16xi32>
        %parallel_loop3A_356 = tpu.vector_load_idx %arg6[%parallel_loop3A_355, %parallel_loop3A_236] : memref<16x3976xf32, #tpu.memory_space<vmem>>[vector<16xi32>, vector<16xi32>], vector<16xf32>,
        %parallel_loop3A_357 = arith.constant 16 : i32
        %parallel_loop3A_358 = arith.muli %parallel_loop3A_230, %parallel_loop3A_357 : i32
        %parallel_loop3A_359 = arith.constant 13 : i32
        %parallel_loop3A_360 = arith.index_cast %parallel_loop3A_359 : i32 to index
        %parallel_loop3A_361 = arith.index_cast %parallel_loop3A_358 : i32 to index
        %parallel_loop3A_362 = tpu.vector_load %arg7[%parallel_loop3A_360, %parallel_loop3A_361] {strides = array<i32>} : memref<16x512xf32, #tpu.memory_space<vmem>>, vector<16xf32>,
        tpu.vector_store %arg7[%parallel_loop3A_360, %parallel_loop3A_361], %parallel_loop3A_356 {strides = array<i32>} : memref<16x512xf32, #tpu.memory_space<vmem>>, vector<16xf32>,
        %parallel_loop3A_363 = arith.constant 14 : i32
        %parallel_loop3A_364 = vector.broadcast %parallel_loop3A_363 : i32 to vector<16xi32>
        %parallel_loop3A_365 = tpu.vector_load_idx %arg6[%parallel_loop3A_364, %parallel_loop3A_236] : memref<16x3976xf32, #tpu.memory_space<vmem>>[vector<16xi32>, vector<16xi32>], vector<16xf32>,
        %parallel_loop3A_366 = arith.constant 16 : i32
        %parallel_loop3A_367 = arith.muli %parallel_loop3A_230, %parallel_loop3A_366 : i32
        %parallel_loop3A_368 = arith.constant 14 : i32
        %parallel_loop3A_369 = arith.index_cast %parallel_loop3A_368 : i32 to index
        %parallel_loop3A_370 = arith.index_cast %parallel_loop3A_367 : i32 to index
        %parallel_loop3A_371 = tpu.vector_load %arg7[%parallel_loop3A_369, %parallel_loop3A_370] {strides = array<i32>} : memref<16x512xf32, #tpu.memory_space<vmem>>, vector<16xf32>,
        tpu.vector_store %arg7[%parallel_loop3A_369, %parallel_loop3A_370], %parallel_loop3A_365 {strides = array<i32>} : memref<16x512xf32, #tpu.memory_space<vmem>>, vector<16xf32>,
        %parallel_loop3A_372 = arith.constant 15 : i32
        %parallel_loop3A_373 = vector.broadcast %parallel_loop3A_372 : i32 to vector<16xi32>
        %parallel_loop3A_374 = tpu.vector_load_idx %arg6[%parallel_loop3A_373, %parallel_loop3A_236] : memref<16x3976xf32, #tpu.memory_space<vmem>>[vector<16xi32>, vector<16xi32>], vector<16xf32>,
        %parallel_loop3A_375 = arith.constant 16 : i32
        %parallel_loop3A_376 = arith.muli %parallel_loop3A_230, %parallel_loop3A_375 : i32
        %parallel_loop3A_377 = arith.constant 15 : i32
        %parallel_loop3A_378 = arith.index_cast %parallel_loop3A_377 : i32 to index
        %parallel_loop3A_379 = arith.index_cast %parallel_loop3A_376 : i32 to index
        %parallel_loop3A_380 = tpu.vector_load %arg7[%parallel_loop3A_378, %parallel_loop3A_379] {strides = array<i32>} : memref<16x512xf32, #tpu.memory_space<vmem>>, vector<16xf32>,
        tpu.vector_store %arg7[%parallel_loop3A_378, %parallel_loop3A_379], %parallel_loop3A_374 {strides = array<i32>} : memref<16x512xf32, #tpu.memory_space<vmem>>, vector<16xf32>,
      } {sc.loop_unroll_factor = 4 : i64, sc.parallel_access}
      %jit3A_78 = arith.constant 2 : i32
      %div3A_79 = arith.divsi %add3A_41, %jit3A_78 : i32
      %sign3A_80 = arith.constant 0 : i32
      %sign3A_81 = arith.cmpi sgt, %add3A_41, %sign3A_80 : i32
      %sign3A_82 = arith.extui %sign3A_81 : i1 to i32
      %sign3A_83 = arith.constant 0 : i32
      %sign3A_84 = arith.cmpi slt, %add3A_41, %sign3A_83 : i32
      %sign3A_85 = arith.extui %sign3A_84 : i1 to i32
      %sign3A_86 = arith.subi %sign3A_82, %sign3A_85 : i32
      %sign3A_87 = arith.constant 0 : i32
      %sign3A_88 = arith.cmpi sgt, %jit3A_78, %sign3A_87 : i32
      %sign3A_89 = arith.extui %sign3A_88 : i1 to i32
      %sign3A_90 = arith.constant 0 : i32
      %sign3A_91 = arith.cmpi slt, %jit3A_78, %sign3A_90 : i32
      %sign3A_92 = arith.extui %sign3A_91 : i1 to i32
      %sign3A_93 = arith.subi %sign3A_89, %sign3A_92 : i32
      %ne3A_94 = arith.cmpi ne, %sign3A_86, %sign3A_93 : i32
      %rem3A_95 = arith.remsi %add3A_41, %jit3A_78 : i32
      %ne3A_96 = arith.constant 0 : i32
      %ne3A_97 = arith.cmpi ne, %rem3A_95, %ne3A_96 : i32
      %and3A_98 = arith.andi %ne3A_94, %ne3A_97 : i1
      %sub3A_99 = arith.constant 1 : i32
      %sub3A_100 = arith.subi %div3A_79, %sub3A_99 : i32
      %select_n3A_101 = arith.select %and3A_98, %sub3A_100, %div3A_79 : i32
      %add3A_102 = arith.addi %mul3A_2, %select_n3A_101 : i32
      %jit3A_103 = arith.constant 2 : i32
      %eq3A_104 = arith.constant 0 : i32
      %eq3A_105 = arith.cmpi eq, %jit3A_103, %eq3A_104 : i32
      %jit3A_106 = arith.constant 1 : i32
      %select_n3A_107 = arith.select %eq3A_105, %jit3A_106, %jit3A_103 : i32
      %rem3A_108 = arith.remsi %add3A_41, %select_n3A_107 : i32
      %ne3A_109 = arith.constant 0 : i32
      %ne3A_110 = arith.cmpi ne, %rem3A_108, %ne3A_109 : i32
      %lt3A_111 = arith.constant 0 : i32
      %lt3A_112 = arith.cmpi slt, %rem3A_108, %lt3A_111 : i32
      %lt3A_113 = arith.constant 0 : i32
      %lt3A_114 = arith.cmpi slt, %select_n3A_107, %lt3A_113 : i32
      %ne3A_115 = arith.xori %lt3A_112, %lt3A_114 : i1
      %and3A_116 = arith.andi %ne3A_115, %ne3A_110 : i1
      %add3A_117 = arith.addi %rem3A_108, %select_n3A_107 : i32
      %select_n3A_118 = arith.select %and3A_116, %add3A_117, %rem3A_108 : i32
      %mul3A_119 = arith.constant 512 : i32
      %mul3A_120 = arith.muli %select_n3A_118, %mul3A_119 : i32
      %dma_start3A_121 = arith.constant 0 : i32
      %dma_start3A_122 = arith.constant 0 : i32
      %dma_start3A_123 = tpu.memref_slice %arg4[%dma_start3A_121, %dma_start3A_122, %add3A_102, %mul3A_120] : memref<1x16x1024x1024xf32, #tpu.memory_space<hbm>> -> memref<1x16x1x512xf32, #tpu.memory_space<hbm>>
      %dma_start3A_124 = tpu.memref_squeeze %dma_start3A_123 : memref<1x16x1x512xf32, #tpu.memory_space<hbm>> -> memref<16x512xf32, #tpu.memory_space<hbm>>
      %dma_start3A_125 = arith.constant 0 : i32
      %dma_start3A_126 = tpu.memref_slice %arg4[%dma_start3A_121, %dma_start3A_125, %add3A_102, %mul3A_120] : memref<1x16x1024x1024xf32, #tpu.memory_space<hbm>> -> memref<1x16x1x512xf32, #tpu.memory_space<hbm>>
      %dma_start3A_127 = tpu.memref_squeeze %dma_start3A_126 : memref<1x16x1x512xf32, #tpu.memory_space<hbm>> -> memref<16x512xf32, #tpu.memory_space<hbm>>
      tpu.enqueue_dma source(%arg7 : memref<16x512xf32, #tpu.memory_space<vmem>>) target(%dma_start3A_127 : memref<16x512xf32, #tpu.memory_space<hbm>>) target_semaphore(%arg9 : memref<!tpu.dma_semaphore, #tpu.memory_space<semaphore_mem>>)
      %add3A_128 = arith.constant 1 : i32
      %add3A_129 = arith.addi %add3A_39, %add3A_128 : i32
      %jit3A_130 = arith.constant 2 : i32
      %div3A_131 = arith.divsi %add3A_129, %jit3A_130 : i32
      %sign3A_132 = arith.constant 0 : i32
      %sign3A_133 = arith.cmpi sgt, %add3A_129, %sign3A_132 : i32
      %sign3A_134 = arith.extui %sign3A_133 : i1 to i32
      %sign3A_135 = arith.constant 0 : i32
      %sign3A_136 = arith.cmpi slt, %add3A_129, %sign3A_135 : i32
      %sign3A_137 = arith.extui %sign3A_136 : i1 to i32
      %sign3A_138 = arith.subi %sign3A_134, %sign3A_137 : i32
      %sign3A_139 = arith.constant 0 : i32
      %sign3A_140 = arith.cmpi sgt, %jit3A_130, %sign3A_139 : i32
      %sign3A_141 = arith.extui %sign3A_140 : i1 to i32
      %sign3A_142 = arith.constant 0 : i32
      %sign3A_143 = arith.cmpi slt, %jit3A_130, %sign3A_142 : i32
      %sign3A_144 = arith.extui %sign3A_143 : i1 to i32
      %sign3A_145 = arith.subi %sign3A_141, %sign3A_144 : i32
      %ne3A_146 = arith.cmpi ne, %sign3A_138, %sign3A_145 : i32
      %rem3A_147 = arith.remsi %add3A_129, %jit3A_130 : i32
      %ne3A_148 = arith.constant 0 : i32
      %ne3A_149 = arith.cmpi ne, %rem3A_147, %ne3A_148 : i32
      %and3A_150 = arith.andi %ne3A_146, %ne3A_149 : i1
      %sub3A_151 = arith.constant 1 : i32
      %sub3A_152 = arith.subi %div3A_131, %sub3A_151 : i32
      %select_n3A_153 = arith.select %and3A_150, %sub3A_152, %div3A_131 : i32
      %jit3A_154 = arith.constant 2 : i32
      %eq3A_155 = arith.constant 0 : i32
      %eq3A_156 = arith.cmpi eq, %jit3A_154, %eq3A_155 : i32
      %jit3A_157 = arith.constant 1 : i32
      %select_n3A_158 = arith.select %eq3A_156, %jit3A_157, %jit3A_154 : i32
      %rem3A_159 = arith.remsi %add3A_129, %select_n3A_158 : i32
      %ne3A_160 = arith.constant 0 : i32
      %ne3A_161 = arith.cmpi ne, %rem3A_159, %ne3A_160 : i32
      %lt3A_162 = arith.constant 0 : i32
      %lt3A_163 = arith.cmpi slt, %rem3A_159, %lt3A_162 : i32
      %lt3A_164 = arith.constant 0 : i32
      %lt3A_165 = arith.cmpi slt, %select_n3A_158, %lt3A_164 : i32
      %ne3A_166 = arith.xori %lt3A_163, %lt3A_165 : i1
      %and3A_167 = arith.andi %ne3A_166, %ne3A_161 : i1
      %add3A_168 = arith.addi %rem3A_159, %select_n3A_158 : i32
      %select_n3A_169 = arith.select %and3A_167, %add3A_168, %rem3A_159 : i32
      %mul3A_170 = arith.constant 512 : i32
      %mul3A_171 = arith.muli %select_n3A_169, %mul3A_170 : i32
      %ge3A_172 = arith.constant 2 : i32
      %ge3A_173 = arith.cmpi sge, %add3A_129, %ge3A_172 : i32
      %convert_element_type3A_174 = arith.extui %ge3A_173 : i1 to i32
      %cond3A_175 = arith.constant 0 : i32
      %cond3A_176 = arith.cmpi ne, %convert_element_type3A_174, %cond3A_175 : i32
      scf.if %cond3A_176 {
        %sub3A_230 = arith.constant 2 : i32
        %sub3A_231 = arith.subi %add3A_129, %sub3A_230 : i32
        %jit3A_232 = arith.constant 2 : i32
        %div3A_233 = arith.divsi %sub3A_231, %jit3A_232 : i32
        %sign3A_234 = arith.constant 0 : i32
        %sign3A_235 = arith.cmpi sgt, %sub3A_231, %sign3A_234 : i32
        %sign3A_236 = arith.extui %sign3A_235 : i1 to i32
        %sign3A_237 = arith.constant 0 : i32
        %sign3A_238 = arith.cmpi slt, %sub3A_231, %sign3A_237 : i32
        %sign3A_239 = arith.extui %sign3A_238 : i1 to i32
        %sign3A_240 = arith.subi %sign3A_236, %sign3A_239 : i32
        %sign3A_241 = arith.constant 0 : i32
        %sign3A_242 = arith.cmpi sgt, %jit3A_232, %sign3A_241 : i32
        %sign3A_243 = arith.extui %sign3A_242 : i1 to i32
        %sign3A_244 = arith.constant 0 : i32
        %sign3A_245 = arith.cmpi slt, %jit3A_232, %sign3A_244 : i32
        %sign3A_246 = arith.extui %sign3A_245 : i1 to i32
        %sign3A_247 = arith.subi %sign3A_243, %sign3A_246 : i32
        %ne3A_248 = arith.cmpi ne, %sign3A_240, %sign3A_247 : i32
        %rem3A_249 = arith.remsi %sub3A_231, %jit3A_232 : i32
        %ne3A_250 = arith.constant 0 : i32
        %ne3A_251 = arith.cmpi ne, %rem3A_249, %ne3A_250 : i32
        %and3A_252 = arith.andi %ne3A_248, %ne3A_251 : i1
        %sub3A_253 = arith.constant 1 : i32
        %sub3A_254 = arith.subi %div3A_233, %sub3A_253 : i32
        %select_n3A_255 = arith.select %and3A_252, %sub3A_254, %div3A_233 : i32
        %add3A_256 = arith.addi %mul3A_2, %select_n3A_255 : i32
        %jit3A_257 = arith.constant 2 : i32
        %eq3A_258 = arith.constant 0 : i32
        %eq3A_259 = arith.cmpi eq, %jit3A_257, %eq3A_258 : i32
        %jit3A_260 = arith.constant 1 : i32
        %select_n3A_261 = arith.select %eq3A_259, %jit3A_260, %jit3A_257 : i32
        %rem3A_262 = arith.remsi %sub3A_231, %select_n3A_261 : i32
        %ne3A_263 = arith.constant 0 : i32
        %ne3A_264 = arith.cmpi ne, %rem3A_262, %ne3A_263 : i32
        %lt3A_265 = arith.constant 0 : i32
        %lt3A_266 = arith.cmpi slt, %rem3A_262, %lt3A_265 : i32
        %lt3A_267 = arith.constant 0 : i32
        %lt3A_268 = arith.cmpi slt, %select_n3A_261, %lt3A_267 : i32
        %ne3A_269 = arith.xori %lt3A_266, %lt3A_268 : i1
        %and3A_270 = arith.andi %ne3A_269, %ne3A_264 : i1
        %add3A_271 = arith.addi %rem3A_262, %select_n3A_261 : i32
        %select_n3A_272 = arith.select %and3A_270, %add3A_271, %rem3A_262 : i32
        %mul3A_273 = arith.constant 512 : i32
        %mul3A_274 = arith.muli %select_n3A_272, %mul3A_273 : i32
        %dma_wait3A_275 = arith.constant 0 : i32
        %dma_wait3A_276 = arith.constant 0 : i32
        %dma_wait3A_277 = tpu.memref_slice %arg4[%dma_wait3A_275, %dma_wait3A_276, %add3A_256, %mul3A_274] : memref<1x16x1024x1024xf32, #tpu.memory_space<hbm>> -> memref<1x16x1x512xf32, #tpu.memory_space<hbm>>
        %dma_wait3A_278 = tpu.memref_squeeze %dma_wait3A_277 : memref<1x16x1x512xf32, #tpu.memory_space<hbm>> -> memref<16x512xf32, #tpu.memory_space<hbm>>
        %dma_wait3A_279 = arith.constant 0 : i32
        %dma_wait3A_280 = tpu.memref_slice %arg4[%dma_wait3A_275, %dma_wait3A_279, %add3A_256, %mul3A_274] : memref<1x16x1024x1024xf32, #tpu.memory_space<hbm>> -> memref<1x16x1x512xf32, #tpu.memory_space<hbm>>
        %dma_wait3A_281 = tpu.memref_squeeze %dma_wait3A_280 : memref<1x16x1x512xf32, #tpu.memory_space<hbm>> -> memref<16x512xf32, #tpu.memory_space<hbm>>
        tpu.wait_dma2 semaphore(%arg10 : memref<!tpu.dma_semaphore, #tpu.memory_space<semaphore_mem>>) src(%arg8 : memref<16x512xf32, #tpu.memory_space<vmem>>) dst(%dma_wait3A_281 : memref<16x512xf32, #tpu.memory_space<hbm>>)
      } else {
      }
      %parallel_loop3A_177 = arith.constant 0 : i32
      %parallel_loop3A_178 = arith.constant 32 : i32
      %parallel_loop3A_179 = arith.constant 1 : i32
      scf.for %parallel_loop3A_230 = %parallel_loop3A_177 to %parallel_loop3A_178 step %parallel_loop3A_179  : i32 {
        %parallel_loop3A_231 = arith.constant 16 : i32
        %parallel_loop3A_232 = arith.muli %parallel_loop3A_230, %parallel_loop3A_231 : i32
        %parallel_loop3A_233 = arith.addi %mul3A_171, %parallel_loop3A_232 : i32
        %parallel_loop3A_234 = arith.index_cast %select_n3A_153 : i32 to index
        %parallel_loop3A_235 = arith.index_cast %parallel_loop3A_233 : i32 to index
        %parallel_loop3A_236 = tpu.vector_load %arg5[%parallel_loop3A_234, %parallel_loop3A_235] {strides = array<i32>} : memref<32x1024xi32, #tpu.memory_space<vmem>>, vector<16xi32>,
        %parallel_loop3A_237 = arith.constant 0 : i32
        %parallel_loop3A_238 = vector.broadcast %parallel_loop3A_237 : i32 to vector<16xi32>
        %parallel_loop3A_239 = tpu.vector_load_idx %arg6[%parallel_loop3A_238, %parallel_loop3A_236] : memref<16x3976xf32, #tpu.memory_space<vmem>>[vector<16xi32>, vector<16xi32>], vector<16xf32>,
        %parallel_loop3A_240 = arith.constant 16 : i32
        %parallel_loop3A_241 = arith.muli %parallel_loop3A_230, %parallel_loop3A_240 : i32
        %parallel_loop3A_242 = arith.constant 0 : i32
        %parallel_loop3A_243 = arith.index_cast %parallel_loop3A_242 : i32 to index
        %parallel_loop3A_244 = arith.index_cast %parallel_loop3A_241 : i32 to index
        %parallel_loop3A_245 = tpu.vector_load %arg8[%parallel_loop3A_243, %parallel_loop3A_244] {strides = array<i32>} : memref<16x512xf32, #tpu.memory_space<vmem>>, vector<16xf32>,
        tpu.vector_store %arg8[%parallel_loop3A_243, %parallel_loop3A_244], %parallel_loop3A_239 {strides = array<i32>} : memref<16x512xf32, #tpu.memory_space<vmem>>, vector<16xf32>,
        %parallel_loop3A_246 = arith.constant 1 : i32
        %parallel_loop3A_247 = vector.broadcast %parallel_loop3A_246 : i32 to vector<16xi32>
        %parallel_loop3A_248 = tpu.vector_load_idx %arg6[%parallel_loop3A_247, %parallel_loop3A_236] : memref<16x3976xf32, #tpu.memory_space<vmem>>[vector<16xi32>, vector<16xi32>], vector<16xf32>,
        %parallel_loop3A_249 = arith.constant 16 : i32
        %parallel_loop3A_250 = arith.muli %parallel_loop3A_230, %parallel_loop3A_249 : i32
        %parallel_loop3A_251 = arith.constant 1 : i32
        %parallel_loop3A_252 = arith.index_cast %parallel_loop3A_251 : i32 to index
        %parallel_loop3A_253 = arith.index_cast %parallel_loop3A_250 : i32 to index
        %parallel_loop3A_254 = tpu.vector_load %arg8[%parallel_loop3A_252, %parallel_loop3A_253] {strides = array<i32>} : memref<16x512xf32, #tpu.memory_space<vmem>>, vector<16xf32>,
        tpu.vector_store %arg8[%parallel_loop3A_252, %parallel_loop3A_253], %parallel_loop3A_248 {strides = array<i32>} : memref<16x512xf32, #tpu.memory_space<vmem>>, vector<16xf32>,
        %parallel_loop3A_255 = arith.constant 2 : i32
        %parallel_loop3A_256 = vector.broadcast %parallel_loop3A_255 : i32 to vector<16xi32>
        %parallel_loop3A_257 = tpu.vector_load_idx %arg6[%parallel_loop3A_256, %parallel_loop3A_236] : memref<16x3976xf32, #tpu.memory_space<vmem>>[vector<16xi32>, vector<16xi32>], vector<16xf32>,
        %parallel_loop3A_258 = arith.constant 16 : i32
        %parallel_loop3A_259 = arith.muli %parallel_loop3A_230, %parallel_loop3A_258 : i32
        %parallel_loop3A_260 = arith.constant 2 : i32
        %parallel_loop3A_261 = arith.index_cast %parallel_loop3A_260 : i32 to index
        %parallel_loop3A_262 = arith.index_cast %parallel_loop3A_259 : i32 to index
        %parallel_loop3A_263 = tpu.vector_load %arg8[%parallel_loop3A_261, %parallel_loop3A_262] {strides = array<i32>} : memref<16x512xf32, #tpu.memory_space<vmem>>, vector<16xf32>,
        tpu.vector_store %arg8[%parallel_loop3A_261, %parallel_loop3A_262], %parallel_loop3A_257 {strides = array<i32>} : memref<16x512xf32, #tpu.memory_space<vmem>>, vector<16xf32>,
        %parallel_loop3A_264 = arith.constant 3 : i32
        %parallel_loop3A_265 = vector.broadcast %parallel_loop3A_264 : i32 to vector<16xi32>
        %parallel_loop3A_266 = tpu.vector_load_idx %arg6[%parallel_loop3A_265, %parallel_loop3A_236] : memref<16x3976xf32, #tpu.memory_space<vmem>>[vector<16xi32>, vector<16xi32>], vector<16xf32>,
        %parallel_loop3A_267 = arith.constant 16 : i32
        %parallel_loop3A_268 = arith.muli %parallel_loop3A_230, %parallel_loop3A_267 : i32
        %parallel_loop3A_269 = arith.constant 3 : i32
        %parallel_loop3A_270 = arith.index_cast %parallel_loop3A_269 : i32 to index
        %parallel_loop3A_271 = arith.index_cast %parallel_loop3A_268 : i32 to index
        %parallel_loop3A_272 = tpu.vector_load %arg8[%parallel_loop3A_270, %parallel_loop3A_271] {strides = array<i32>} : memref<16x512xf32, #tpu.memory_space<vmem>>, vector<16xf32>,
        tpu.vector_store %arg8[%parallel_loop3A_270, %parallel_loop3A_271], %parallel_loop3A_266 {strides = array<i32>} : memref<16x512xf32, #tpu.memory_space<vmem>>, vector<16xf32>,
        %parallel_loop3A_273 = arith.constant 4 : i32
        %parallel_loop3A_274 = vector.broadcast %parallel_loop3A_273 : i32 to vector<16xi32>
        %parallel_loop3A_275 = tpu.vector_load_idx %arg6[%parallel_loop3A_274, %parallel_loop3A_236] : memref<16x3976xf32, #tpu.memory_space<vmem>>[vector<16xi32>, vector<16xi32>], vector<16xf32>,
        %parallel_loop3A_276 = arith.constant 16 : i32
        %parallel_loop3A_277 = arith.muli %parallel_loop3A_230, %parallel_loop3A_276 : i32
        %parallel_loop3A_278 = arith.constant 4 : i32
        %parallel_loop3A_279 = arith.index_cast %parallel_loop3A_278 : i32 to index
        %parallel_loop3A_280 = arith.index_cast %parallel_loop3A_277 : i32 to index
        %parallel_loop3A_281 = tpu.vector_load %arg8[%parallel_loop3A_279, %parallel_loop3A_280] {strides = array<i32>} : memref<16x512xf32, #tpu.memory_space<vmem>>, vector<16xf32>,
        tpu.vector_store %arg8[%parallel_loop3A_279, %parallel_loop3A_280], %parallel_loop3A_275 {strides = array<i32>} : memref<16x512xf32, #tpu.memory_space<vmem>>, vector<16xf32>,
        %parallel_loop3A_282 = arith.constant 5 : i32
        %parallel_loop3A_283 = vector.broadcast %parallel_loop3A_282 : i32 to vector<16xi32>
        %parallel_loop3A_284 = tpu.vector_load_idx %arg6[%parallel_loop3A_283, %parallel_loop3A_236] : memref<16x3976xf32, #tpu.memory_space<vmem>>[vector<16xi32>, vector<16xi32>], vector<16xf32>,
        %parallel_loop3A_285 = arith.constant 16 : i32
        %parallel_loop3A_286 = arith.muli %parallel_loop3A_230, %parallel_loop3A_285 : i32
        %parallel_loop3A_287 = arith.constant 5 : i32
        %parallel_loop3A_288 = arith.index_cast %parallel_loop3A_287 : i32 to index
        %parallel_loop3A_289 = arith.index_cast %parallel_loop3A_286 : i32 to index
        %parallel_loop3A_290 = tpu.vector_load %arg8[%parallel_loop3A_288, %parallel_loop3A_289] {strides = array<i32>} : memref<16x512xf32, #tpu.memory_space<vmem>>, vector<16xf32>,
        tpu.vector_store %arg8[%parallel_loop3A_288, %parallel_loop3A_289], %parallel_loop3A_284 {strides = array<i32>} : memref<16x512xf32, #tpu.memory_space<vmem>>, vector<16xf32>,
        %parallel_loop3A_291 = arith.constant 6 : i32
        %parallel_loop3A_292 = vector.broadcast %parallel_loop3A_291 : i32 to vector<16xi32>
        %parallel_loop3A_293 = tpu.vector_load_idx %arg6[%parallel_loop3A_292, %parallel_loop3A_236] : memref<16x3976xf32, #tpu.memory_space<vmem>>[vector<16xi32>, vector<16xi32>], vector<16xf32>,
        %parallel_loop3A_294 = arith.constant 16 : i32
        %parallel_loop3A_295 = arith.muli %parallel_loop3A_230, %parallel_loop3A_294 : i32
        %parallel_loop3A_296 = arith.constant 6 : i32
        %parallel_loop3A_297 = arith.index_cast %parallel_loop3A_296 : i32 to index
        %parallel_loop3A_298 = arith.index_cast %parallel_loop3A_295 : i32 to index
        %parallel_loop3A_299 = tpu.vector_load %arg8[%parallel_loop3A_297, %parallel_loop3A_298] {strides = array<i32>} : memref<16x512xf32, #tpu.memory_space<vmem>>, vector<16xf32>,
        tpu.vector_store %arg8[%parallel_loop3A_297, %parallel_loop3A_298], %parallel_loop3A_293 {strides = array<i32>} : memref<16x512xf32, #tpu.memory_space<vmem>>, vector<16xf32>,
        %parallel_loop3A_300 = arith.constant 7 : i32
        %parallel_loop3A_301 = vector.broadcast %parallel_loop3A_300 : i32 to vector<16xi32>
        %parallel_loop3A_302 = tpu.vector_load_idx %arg6[%parallel_loop3A_301, %parallel_loop3A_236] : memref<16x3976xf32, #tpu.memory_space<vmem>>[vector<16xi32>, vector<16xi32>], vector<16xf32>,
        %parallel_loop3A_303 = arith.constant 16 : i32
        %parallel_loop3A_304 = arith.muli %parallel_loop3A_230, %parallel_loop3A_303 : i32
        %parallel_loop3A_305 = arith.constant 7 : i32
        %parallel_loop3A_306 = arith.index_cast %parallel_loop3A_305 : i32 to index
        %parallel_loop3A_307 = arith.index_cast %parallel_loop3A_304 : i32 to index
        %parallel_loop3A_308 = tpu.vector_load %arg8[%parallel_loop3A_306, %parallel_loop3A_307] {strides = array<i32>} : memref<16x512xf32, #tpu.memory_space<vmem>>, vector<16xf32>,
        tpu.vector_store %arg8[%parallel_loop3A_306, %parallel_loop3A_307], %parallel_loop3A_302 {strides = array<i32>} : memref<16x512xf32, #tpu.memory_space<vmem>>, vector<16xf32>,
        %parallel_loop3A_309 = arith.constant 8 : i32
        %parallel_loop3A_310 = vector.broadcast %parallel_loop3A_309 : i32 to vector<16xi32>
        %parallel_loop3A_311 = tpu.vector_load_idx %arg6[%parallel_loop3A_310, %parallel_loop3A_236] : memref<16x3976xf32, #tpu.memory_space<vmem>>[vector<16xi32>, vector<16xi32>], vector<16xf32>,
        %parallel_loop3A_312 = arith.constant 16 : i32
        %parallel_loop3A_313 = arith.muli %parallel_loop3A_230, %parallel_loop3A_312 : i32
        %parallel_loop3A_314 = arith.constant 8 : i32
        %parallel_loop3A_315 = arith.index_cast %parallel_loop3A_314 : i32 to index
        %parallel_loop3A_316 = arith.index_cast %parallel_loop3A_313 : i32 to index
        %parallel_loop3A_317 = tpu.vector_load %arg8[%parallel_loop3A_315, %parallel_loop3A_316] {strides = array<i32>} : memref<16x512xf32, #tpu.memory_space<vmem>>, vector<16xf32>,
        tpu.vector_store %arg8[%parallel_loop3A_315, %parallel_loop3A_316], %parallel_loop3A_311 {strides = array<i32>} : memref<16x512xf32, #tpu.memory_space<vmem>>, vector<16xf32>,
        %parallel_loop3A_318 = arith.constant 9 : i32
        %parallel_loop3A_319 = vector.broadcast %parallel_loop3A_318 : i32 to vector<16xi32>
        %parallel_loop3A_320 = tpu.vector_load_idx %arg6[%parallel_loop3A_319, %parallel_loop3A_236] : memref<16x3976xf32, #tpu.memory_space<vmem>>[vector<16xi32>, vector<16xi32>], vector<16xf32>,
        %parallel_loop3A_321 = arith.constant 16 : i32
        %parallel_loop3A_322 = arith.muli %parallel_loop3A_230, %parallel_loop3A_321 : i32
        %parallel_loop3A_323 = arith.constant 9 : i32
        %parallel_loop3A_324 = arith.index_cast %parallel_loop3A_323 : i32 to index
        %parallel_loop3A_325 = arith.index_cast %parallel_loop3A_322 : i32 to index
        %parallel_loop3A_326 = tpu.vector_load %arg8[%parallel_loop3A_324, %parallel_loop3A_325] {strides = array<i32>} : memref<16x512xf32, #tpu.memory_space<vmem>>, vector<16xf32>,
        tpu.vector_store %arg8[%parallel_loop3A_324, %parallel_loop3A_325], %parallel_loop3A_320 {strides = array<i32>} : memref<16x512xf32, #tpu.memory_space<vmem>>, vector<16xf32>,
        %parallel_loop3A_327 = arith.constant 10 : i32
        %parallel_loop3A_328 = vector.broadcast %parallel_loop3A_327 : i32 to vector<16xi32>
        %parallel_loop3A_329 = tpu.vector_load_idx %arg6[%parallel_loop3A_328, %parallel_loop3A_236] : memref<16x3976xf32, #tpu.memory_space<vmem>>[vector<16xi32>, vector<16xi32>], vector<16xf32>,
        %parallel_loop3A_330 = arith.constant 16 : i32
        %parallel_loop3A_331 = arith.muli %parallel_loop3A_230, %parallel_loop3A_330 : i32
        %parallel_loop3A_332 = arith.constant 10 : i32
        %parallel_loop3A_333 = arith.index_cast %parallel_loop3A_332 : i32 to index
        %parallel_loop3A_334 = arith.index_cast %parallel_loop3A_331 : i32 to index
        %parallel_loop3A_335 = tpu.vector_load %arg8[%parallel_loop3A_333, %parallel_loop3A_334] {strides = array<i32>} : memref<16x512xf32, #tpu.memory_space<vmem>>, vector<16xf32>,
        tpu.vector_store %arg8[%parallel_loop3A_333, %parallel_loop3A_334], %parallel_loop3A_329 {strides = array<i32>} : memref<16x512xf32, #tpu.memory_space<vmem>>, vector<16xf32>,
        %parallel_loop3A_336 = arith.constant 11 : i32
        %parallel_loop3A_337 = vector.broadcast %parallel_loop3A_336 : i32 to vector<16xi32>
        %parallel_loop3A_338 = tpu.vector_load_idx %arg6[%parallel_loop3A_337, %parallel_loop3A_236] : memref<16x3976xf32, #tpu.memory_space<vmem>>[vector<16xi32>, vector<16xi32>], vector<16xf32>,
        %parallel_loop3A_339 = arith.constant 16 : i32
        %parallel_loop3A_340 = arith.muli %parallel_loop3A_230, %parallel_loop3A_339 : i32
        %parallel_loop3A_341 = arith.constant 11 : i32
        %parallel_loop3A_342 = arith.index_cast %parallel_loop3A_341 : i32 to index
        %parallel_loop3A_343 = arith.index_cast %parallel_loop3A_340 : i32 to index
        %parallel_loop3A_344 = tpu.vector_load %arg8[%parallel_loop3A_342, %parallel_loop3A_343] {strides = array<i32>} : memref<16x512xf32, #tpu.memory_space<vmem>>, vector<16xf32>,
        tpu.vector_store %arg8[%parallel_loop3A_342, %parallel_loop3A_343], %parallel_loop3A_338 {strides = array<i32>} : memref<16x512xf32, #tpu.memory_space<vmem>>, vector<16xf32>,
        %parallel_loop3A_345 = arith.constant 12 : i32
        %parallel_loop3A_346 = vector.broadcast %parallel_loop3A_345 : i32 to vector<16xi32>
        %parallel_loop3A_347 = tpu.vector_load_idx %arg6[%parallel_loop3A_346, %parallel_loop3A_236] : memref<16x3976xf32, #tpu.memory_space<vmem>>[vector<16xi32>, vector<16xi32>], vector<16xf32>,
        %parallel_loop3A_348 = arith.constant 16 : i32
        %parallel_loop3A_349 = arith.muli %parallel_loop3A_230, %parallel_loop3A_348 : i32
        %parallel_loop3A_350 = arith.constant 12 : i32
        %parallel_loop3A_351 = arith.index_cast %parallel_loop3A_350 : i32 to index
        %parallel_loop3A_352 = arith.index_cast %parallel_loop3A_349 : i32 to index
        %parallel_loop3A_353 = tpu.vector_load %arg8[%parallel_loop3A_351, %parallel_loop3A_352] {strides = array<i32>} : memref<16x512xf32, #tpu.memory_space<vmem>>, vector<16xf32>,
        tpu.vector_store %arg8[%parallel_loop3A_351, %parallel_loop3A_352], %parallel_loop3A_347 {strides = array<i32>} : memref<16x512xf32, #tpu.memory_space<vmem>>, vector<16xf32>,
        %parallel_loop3A_354 = arith.constant 13 : i32
        %parallel_loop3A_355 = vector.broadcast %parallel_loop3A_354 : i32 to vector<16xi32>
        %parallel_loop3A_356 = tpu.vector_load_idx %arg6[%parallel_loop3A_355, %parallel_loop3A_236] : memref<16x3976xf32, #tpu.memory_space<vmem>>[vector<16xi32>, vector<16xi32>], vector<16xf32>,
        %parallel_loop3A_357 = arith.constant 16 : i32
        %parallel_loop3A_358 = arith.muli %parallel_loop3A_230, %parallel_loop3A_357 : i32
        %parallel_loop3A_359 = arith.constant 13 : i32
        %parallel_loop3A_360 = arith.index_cast %parallel_loop3A_359 : i32 to index
        %parallel_loop3A_361 = arith.index_cast %parallel_loop3A_358 : i32 to index
        %parallel_loop3A_362 = tpu.vector_load %arg8[%parallel_loop3A_360, %parallel_loop3A_361] {strides = array<i32>} : memref<16x512xf32, #tpu.memory_space<vmem>>, vector<16xf32>,
        tpu.vector_store %arg8[%parallel_loop3A_360, %parallel_loop3A_361], %parallel_loop3A_356 {strides = array<i32>} : memref<16x512xf32, #tpu.memory_space<vmem>>, vector<16xf32>,
        %parallel_loop3A_363 = arith.constant 14 : i32
        %parallel_loop3A_364 = vector.broadcast %parallel_loop3A_363 : i32 to vector<16xi32>
        %parallel_loop3A_365 = tpu.vector_load_idx %arg6[%parallel_loop3A_364, %parallel_loop3A_236] : memref<16x3976xf32, #tpu.memory_space<vmem>>[vector<16xi32>, vector<16xi32>], vector<16xf32>,
        %parallel_loop3A_366 = arith.constant 16 : i32
        %parallel_loop3A_367 = arith.muli %parallel_loop3A_230, %parallel_loop3A_366 : i32
        %parallel_loop3A_368 = arith.constant 14 : i32
        %parallel_loop3A_369 = arith.index_cast %parallel_loop3A_368 : i32 to index
        %parallel_loop3A_370 = arith.index_cast %parallel_loop3A_367 : i32 to index
        %parallel_loop3A_371 = tpu.vector_load %arg8[%parallel_loop3A_369, %parallel_loop3A_370] {strides = array<i32>} : memref<16x512xf32, #tpu.memory_space<vmem>>, vector<16xf32>,
        tpu.vector_store %arg8[%parallel_loop3A_369, %parallel_loop3A_370], %parallel_loop3A_365 {strides = array<i32>} : memref<16x512xf32, #tpu.memory_space<vmem>>, vector<16xf32>,
        %parallel_loop3A_372 = arith.constant 15 : i32
        %parallel_loop3A_373 = vector.broadcast %parallel_loop3A_372 : i32 to vector<16xi32>
        %parallel_loop3A_374 = tpu.vector_load_idx %arg6[%parallel_loop3A_373, %parallel_loop3A_236] : memref<16x3976xf32, #tpu.memory_space<vmem>>[vector<16xi32>, vector<16xi32>], vector<16xf32>,
        %parallel_loop3A_375 = arith.constant 16 : i32
        %parallel_loop3A_376 = arith.muli %parallel_loop3A_230, %parallel_loop3A_375 : i32
        %parallel_loop3A_377 = arith.constant 15 : i32
        %parallel_loop3A_378 = arith.index_cast %parallel_loop3A_377 : i32 to index
        %parallel_loop3A_379 = arith.index_cast %parallel_loop3A_376 : i32 to index
        %parallel_loop3A_380 = tpu.vector_load %arg8[%parallel_loop3A_378, %parallel_loop3A_379] {strides = array<i32>} : memref<16x512xf32, #tpu.memory_space<vmem>>, vector<16xf32>,
        tpu.vector_store %arg8[%parallel_loop3A_378, %parallel_loop3A_379], %parallel_loop3A_374 {strides = array<i32>} : memref<16x512xf32, #tpu.memory_space<vmem>>, vector<16xf32>,
      } {sc.loop_unroll_factor = 4 : i64, sc.parallel_access}
      %jit3A_180 = arith.constant 2 : i32
      %div3A_181 = arith.divsi %add3A_129, %jit3A_180 : i32
      %sign3A_182 = arith.constant 0 : i32
      %sign3A_183 = arith.cmpi sgt, %add3A_129, %sign3A_182 : i32
      %sign3A_184 = arith.extui %sign3A_183 : i1 to i32
      %sign3A_185 = arith.constant 0 : i32
      %sign3A_186 = arith.cmpi slt, %add3A_129, %sign3A_185 : i32
      %sign3A_187 = arith.extui %sign3A_186 : i1 to i32
      %sign3A_188 = arith.subi %sign3A_184, %sign3A_187 : i32
      %sign3A_189 = arith.constant 0 : i32
      %sign3A_190 = arith.cmpi sgt, %jit3A_180, %sign3A_189 : i32
      %sign3A_191 = arith.extui %sign3A_190 : i1 to i32
      %sign3A_192 = arith.constant 0 : i32
      %sign3A_193 = arith.cmpi slt, %jit3A_180, %sign3A_192 : i32
      %sign3A_194 = arith.extui %sign3A_193 : i1 to i32
      %sign3A_195 = arith.subi %sign3A_191, %sign3A_194 : i32
      %ne3A_196 = arith.cmpi ne, %sign3A_188, %sign3A_195 : i32
      %rem3A_197 = arith.remsi %add3A_129, %jit3A_180 : i32
      %ne3A_198 = arith.constant 0 : i32
      %ne3A_199 = arith.cmpi ne, %rem3A_197, %ne3A_198 : i32
      %and3A_200 = arith.andi %ne3A_196, %ne3A_199 : i1
      %sub3A_201 = arith.constant 1 : i32
      %sub3A_202 = arith.subi %div3A_181, %sub3A_201 : i32
      %select_n3A_203 = arith.select %and3A_200, %sub3A_202, %div3A_181 : i32
      %add3A_204 = arith.addi %mul3A_2, %select_n3A_203 : i32
      %jit3A_205 = arith.constant 2 : i32
      %eq3A_206 = arith.constant 0 : i32
      %eq3A_207 = arith.cmpi eq, %jit3A_205, %eq3A_206 : i32
      %jit3A_208 = arith.constant 1 : i32
      %select_n3A_209 = arith.select %eq3A_207, %jit3A_208, %jit3A_205 : i32
      %rem3A_210 = arith.remsi %add3A_129, %select_n3A_209 : i32
      %ne3A_211 = arith.constant 0 : i32
      %ne3A_212 = arith.cmpi ne, %rem3A_210, %ne3A_211 : i32
      %lt3A_213 = arith.constant 0 : i32
      %lt3A_214 = arith.cmpi slt, %rem3A_210, %lt3A_213 : i32
      %lt3A_215 = arith.constant 0 : i32
      %lt3A_216 = arith.cmpi slt, %select_n3A_209, %lt3A_215 : i32
      %ne3A_217 = arith.xori %lt3A_214, %lt3A_216 : i1
      %and3A_218 = arith.andi %ne3A_217, %ne3A_212 : i1
      %add3A_219 = arith.addi %rem3A_210, %select_n3A_209 : i32
      %select_n3A_220 = arith.select %and3A_218, %add3A_219, %rem3A_210 : i32
      %mul3A_221 = arith.constant 512 : i32
      %mul3A_222 = arith.muli %select_n3A_220, %mul3A_221 : i32
      %dma_start3A_223 = arith.constant 0 : i32
      %dma_start3A_224 = arith.constant 0 : i32
      %dma_start3A_225 = tpu.memref_slice %arg4[%dma_start3A_223, %dma_start3A_224, %add3A_204, %mul3A_222] : memref<1x16x1024x1024xf32, #tpu.memory_space<hbm>> -> memref<1x16x1x512xf32, #tpu.memory_space<hbm>>
      %dma_start3A_226 = tpu.memref_squeeze %dma_start3A_225 : memref<1x16x1x512xf32, #tpu.memory_space<hbm>> -> memref<16x512xf32, #tpu.memory_space<hbm>>
      %dma_start3A_227 = arith.constant 0 : i32
      %dma_start3A_228 = tpu.memref_slice %arg4[%dma_start3A_223, %dma_start3A_227, %add3A_204, %mul3A_222] : memref<1x16x1024x1024xf32, #tpu.memory_space<hbm>> -> memref<1x16x1x512xf32, #tpu.memory_space<hbm>>
      %dma_start3A_229 = tpu.memref_squeeze %dma_start3A_228 : memref<1x16x1x512xf32, #tpu.memory_space<hbm>> -> memref<16x512xf32, #tpu.memory_space<hbm>>
      tpu.enqueue_dma source(%arg8 : memref<16x512xf32, #tpu.memory_space<vmem>>) target(%dma_start3A_229 : memref<16x512xf32, #tpu.memory_space<hbm>>) target_semaphore(%arg10 : memref<!tpu.dma_semaphore, #tpu.memory_space<semaphore_mem>>)
    }
    %scan3A_12 = arith.constant 32 : i32
    %add3A_13 = arith.constant 31 : i32
    %add3A_14 = arith.addi %mul3A_2, %add3A_13 : i32
    %dma_wait3A_15 = arith.constant 0 : i32
    %dma_wait3A_16 = arith.constant 0 : i32
    %dma_wait3A_17 = arith.constant 0 : i32
    %dma_wait3A_18 = tpu.memref_slice %arg4[%dma_wait3A_15, %dma_wait3A_16, %add3A_14, %dma_wait3A_17] : memref<1x16x1024x1024xf32, #tpu.memory_space<hbm>> -> memref<1x16x1x512xf32, #tpu.memory_space<hbm>>
    %dma_wait3A_19 = tpu.memref_squeeze %dma_wait3A_18 : memref<1x16x1x512xf32, #tpu.memory_space<hbm>> -> memref<16x512xf32, #tpu.memory_space<hbm>>
    %dma_wait3A_20 = arith.constant 0 : i32
    %dma_wait3A_21 = arith.constant 0 : i32
    %dma_wait3A_22 = tpu.memref_slice %arg4[%dma_wait3A_15, %dma_wait3A_20, %add3A_14, %dma_wait3A_21] : memref<1x16x1024x1024xf32, #tpu.memory_space<hbm>> -> memref<1x16x1x512xf32, #tpu.memory_space<hbm>>
    %dma_wait3A_23 = tpu.memref_squeeze %dma_wait3A_22 : memref<1x16x1x512xf32, #tpu.memory_space<hbm>> -> memref<16x512xf32, #tpu.memory_space<hbm>>
    tpu.wait_dma2 semaphore(%arg9 : memref<!tpu.dma_semaphore, #tpu.memory_space<semaphore_mem>>) src(%arg7 : memref<16x512xf32, #tpu.memory_space<vmem>>) dst(%dma_wait3A_23 : memref<16x512xf32, #tpu.memory_space<hbm>>)
    %add3A_24 = arith.constant 31 : i32
    %add3A_25 = arith.addi %mul3A_2, %add3A_24 : i32
    %dma_wait3A_26 = arith.constant 0 : i32
    %dma_wait3A_27 = arith.constant 0 : i32
    %dma_wait3A_28 = arith.constant 512 : i32
    %dma_wait3A_29 = tpu.memref_slice %arg4[%dma_wait3A_26, %dma_wait3A_27, %add3A_25, %dma_wait3A_28] : memref<1x16x1024x1024xf32, #tpu.memory_space<hbm>> -> memref<1x16x1x512xf32, #tpu.memory_space<hbm>>
    %dma_wait3A_30 = tpu.memref_squeeze %dma_wait3A_29 : memref<1x16x1x512xf32, #tpu.memory_space<hbm>> -> memref<16x512xf32, #tpu.memory_space<hbm>>
    %dma_wait3A_31 = arith.constant 0 : i32
    %dma_wait3A_32 = arith.constant 512 : i32
    %dma_wait3A_33 = tpu.memref_slice %arg4[%dma_wait3A_26, %dma_wait3A_31, %add3A_25, %dma_wait3A_32] : memref<1x16x1024x1024xf32, #tpu.memory_space<hbm>> -> memref<1x16x1x512xf32, #tpu.memory_space<hbm>>
    %dma_wait3A_34 = tpu.memref_squeeze %dma_wait3A_33 : memref<1x16x1x512xf32, #tpu.memory_space<hbm>> -> memref<16x512xf32, #tpu.memory_space<hbm>>
    tpu.wait_dma2 semaphore(%arg10 : memref<!tpu.dma_semaphore, #tpu.memory_space<semaphore_mem>>) src(%arg8 : memref<16x512xf32, #tpu.memory_space<vmem>>) dst(%dma_wait3A_34 : memref<16x512xf32, #tpu.memory_space<hbm>>)
    return
  }
}

</mosaic_0001>

<sc_bundles>
// kernel: kernel.3.cloned.1.call-start
scs
__scs_entry_jumppad:
0x0: {  	(pc) =	sbr.rel $0x88, $3  }
0x1: {  	(tag) =	ssettag $0x0;
	lr =	simm.s32 $0x1  }
0x2: {  	[smem:$0x3F9F] =	sst lr;
	_ =	strace $0xD0000000  }
0x3: {  	_ = 	snop  }
0x4: {  	_ = 	snop  }
0x5: {  	_ = 	snop  }
0x6: {  	_ = 	snop  }
0x7: {  	_ = 	snop  }
__scs_overlays_trampoline_lowered:
0x8: {  	[smem:$0x3FAE] =	sst s0  }
0x9: {  	[smem:$0x3FAF] =	sst s1  }
0xa: {  	[smem:$0x3FB0] =	sst s2  }
0xb: {  	[smem:$0x3FB1] =	sst s3  }
0xc: {  	[smem:$0x3FB2] =	sst s4  }
0xd: {  	[smem:$0x3FB3] =	sst s5  }
0xe: {  	[smem:$0x3FB4] =	sst s6  }
0xf: {  	[smem:$0x3FB5] =	sst s7  }
0x10: {  	[smem:$0x3FB6] =	sst s8  }
0x11: {  	[smem:$0x3FB7] =	sst s9;
	s0 =	simm.s32 @!p0 $0x0  }
0x12: {  	s1 =	sld [smem:$0x3F9D];
	s0 =	simm.s32 @p0 $0x1  }
0x13: {  	[smem:$0x3FB8] =	sst s0;
	s0 =	simm.s32 @!p1 $0x0  }
0x14: {  	s2 =	sld [smem:$0x3F9C];
	s0 =	simm.s32 @p1 $0x1  }
0x15: {  	[smem:$0x3FB9] =	sst s0;
	s0 =	simm.s32 @!p2 $0x0  }
0x16: {  	s3 =	sld [smem:$0x3FDB];
	s0 =	simm.s32 @p2 $0x1  }
0x17: {  	s4 =	simm.s32 $0x1BF5;
	[smem:$0x3FBB] =	sst s0  }
0x18: {  	s0 =	sld [smem:$0x3F9E];
	_ =	swait.ge [sflag:s4], $0x0  }
0x19: {  	s7 =	sld [smem:$0x3F9F]  }
0x1a: {  	s8 =	sadd.s32 $0xFFFFE003, lr  }
0x1b: {  	s9 =	sadd.s32 $0xFFFFFEF7, lr;
	s5 =	simm.s32 $0xFFFFFFFF;
	p2 =	slt.u32 s8, $0xFFFFF086  }
0x1c: {  	p1 =	slt.u32 s9, $0xF7A;
	s5 =	simm.s32 @!p2 $0x0  }
0x1d: {  	s5 =	simm.s32 @p1 $0x1;
	p0 =	seq.s32 s7, s2  }
0x1e: {  	s7 =	smul.u32 @!p0 $0xF7A, s2;
	p2 =	seq.s32 @!p0 s5, $0x0  }
0x1f: {  	s9 =	smul.u32 $0xF7A, s1;
	s8 =	simm.s32 @!p0 $0x1BF5;
	p2 =	por !p2, p0  }
0x20: {  	[sflag:s8] =	ssyncset.s32 @!p0 $0xFFFFF086;
	s6 =	sadd.s32 @!p0 s3, s7;
	s7 =	simm.s32 @!p0 $0x108  }
0x21: {  	s3 =	sadd.s32 s3, s9;
	s6 =	sadd.s32 @!p0 $0x88, s6;
	s7 =	simm.s32 @p2 $0x1082  }
0x22: {  	[simem:s7], [sflag:s8] =	dma.local @!p0 [hbm:s6], $0xF7A  }
0x23: {  	s9 =	sor.u32 $0xD0000000, s2;
	s6 =	simm.s32 $0x108;
	_ =	swait.ge @!p0 [sflag:s8], $0x0  }
0x24: {  	s3 =	sadd.s32 $0x88, s3;
	s6 =	simm.s32 @!p1 $0x1082;
	[sflag:s4] =	ssyncset.s32 $0xFFFFF086  }
0x25: {  	[simem:s6], [sflag:s4] =	dma.local [hbm:s3], $0xF7A  }
0x26: {  	[smem:$0x3F9F] =	sst s1;
	(tag) =	ssettag s2;
	_ =	strace s9  }
0x27: {  	s1 =	sld [smem:$0x3FAF]  }
0x28: {  	s2 =	sld [smem:$0x3FB0]  }
0x29: {  	s4 =	sld [smem:$0x3FB2]  }
0x2a: {  	p0 =	seq.s32 s5, $0x0;
	s5 =	sld [smem:$0x3FB3]  }
0x2b: {  	s6 =	sld [smem:$0x3FB4]  }
0x2c: {  	s7 =	sld [smem:$0x3FB5]  }
0x2d: {  	s3 =	simm.s32 $0x108;
	s8 =	sld [smem:$0x3FB6]  }
0x2e: {  	s3 =	simm.s32 @!p0 $0x1082;
	s9 =	sld [smem:$0x3FB7]  }
0x2f: {  	lr =	sadd.s32 s0, s3;
	s0 =	sld [smem:$0x3FAE]  }
0x30: {  	s3 =	sld [smem:$0x3FB1]  }
0x31: {  	[smem:$0x3FBA] =	sst s10  }
0x32: {  	s10 =	sld [smem:$0x3FB8];
	_ =	sdelay $0x3  }
0x33: {  	p0 =	seq.s32 s10, $0x1;
	s10 =	sld [smem:$0x3FBA];
	_ =	sdelay $0x3  }
0x34: {  	[smem:$0x3FBA] =	sst s10  }
0x35: {  	s10 =	sld [smem:$0x3FB9];
	_ =	sdelay $0x3  }
0x36: {  	p1 =	seq.s32 s10, $0x1;
	s10 =	sld [smem:$0x3FBA];
	_ =	sdelay $0x3  }
0x37: {  	[smem:$0x3FBA] =	sst s10  }
0x38: {  	s10 =	sld [smem:$0x3FBB]  }
0x39: {  	_ = 	snop;
	(pc) =	sbr.ind lr, $3  }
0x3a: {  	_ = 	snop  }
0x3b: {  	_ = 	snop  }
0x3c: {  	p2 =	seq.s32 s10, $0x1;
	s10 =	sld [smem:$0x3FBA]  }
0x3d: {  	_ =	shalt  }
0x3e: {  	_ =	shalt  }
0x3f: {  	_ =	shalt  }
0x40: {  	_ =	shalt  }
0x41: {  	_ =	shalt  }
0x42: {  	_ =	shalt  }
0x43: {  	_ =	shalt  }
0x44: {  	_ =	shalt  }
0x45: {  	_ =	shalt  }
0x46: {  	_ =	shalt  }
0x47: {  	_ =	shalt  }
0x48: {  	_ =	shalt  }
0x49: {  	_ =	shalt  }
0x4a: {  	_ =	shalt  }
0x4b: {  	_ =	shalt  }
0x4c: {  	_ =	shalt  }
0x4d: {  	_ =	shalt  }
0x4e: {  	_ =	shalt  }
0x4f: {  	_ =	shalt  }
0x50: {  	_ =	shalt  }
0x51: {  	_ =	shalt  }
0x52: {  	_ =	shalt  }
0x53: {  	_ =	shalt  }
0x54: {  	_ =	shalt  }
0x55: {  	_ =	shalt  }
0x56: {  	_ =	shalt  }
0x57: {  	_ =	shalt  }
0x58: {  	_ =	shalt  }
0x59: {  	_ =	shalt  }
0x5a: {  	_ =	shalt  }
0x5b: {  	_ =	shalt  }
0x5c: {  	_ =	shalt  }
0x5d: {  	_ =	shalt  }
0x5e: {  	_ =	shalt  }
0x5f: {  	_ =	shalt  }
0x60: {  	_ =	shalt  }
0x61: {  	_ =	shalt  }
0x62: {  	_ =	shalt  }
0x63: {  	_ =	shalt  }
0x64: {  	_ =	shalt  }
0x65: {  	_ =	shalt  }
0x66: {  	_ =	shalt  }
0x67: {  	_ =	shalt  }
0x68: {  	_ =	shalt  }
0x69: {  	_ =	shalt  }
0x6a: {  	_ =	shalt  }
0x6b: {  	_ =	shalt  }
0x6c: {  	_ =	shalt  }
0x6d: {  	_ =	shalt  }
0x6e: {  	_ =	shalt  }
0x6f: {  	_ =	shalt  }
0x70: {  	_ =	shalt  }
0x71: {  	_ =	shalt  }
0x72: {  	_ =	shalt  }
0x73: {  	_ =	shalt  }
0x74: {  	_ =	shalt  }
0x75: {  	_ =	shalt  }
0x76: {  	_ =	shalt  }
0x77: {  	_ =	shalt  }
0x78: {  	_ =	shalt  }
0x79: {  	_ =	shalt  }
0x7a: {  	_ =	shalt  }
0x7b: {  	_ =	shalt  }
0x7c: {  	_ =	shalt  }
0x7d: {  	_ =	shalt  }
0x7e: {  	_ =	shalt  }
0x7f: {  	_ =	shalt  }
0x80: {  	_ =	shalt  }
0x81: {  	_ =	shalt  }
0x82: {  	_ =	shalt  }
0x83: {  	_ =	shalt  }
0x84: {  	_ =	shalt  }
0x85: {  	_ =	shalt  }
0x86: {  	_ =	shalt  }
0x87: {  	_ =	shalt  }
.Lfunc_end0:
.L_simem_size_0:
called_computation_lowered:
.L_overlay_start_0:
0x88: {  	s2 =	sld [smem:$0x3FD9]  }
0x89: {  	s3 =	sld [smem:$0x3FFE];
	_ =	sdelay $0x1  }
0x8a: {  	s1 =	srdreg.scid  }
0x8b: {  	s0 =	sand.u32 $0x1, s1  }
0x8c: {  	s17 =	sshll.u32 s0, $0xA;
	s2 =	sadd.s32 s3, s2  }
0x8d: {  	s2 =	sadd.s32 s2, s17  }
0x8e: {  	[smem:$0x3FC6] =	sst s2  }
0x8f: {  	_ = 	snop  }
0x90: {  	s2 =	sld [smem:$0x3FC8]  }
0x91: {  	s18 =	sld [smem:$0x3FD0];
	(tm) =	ssettm $0x1  }
0x92: {  	s4 =	sld [smem:$0x3FFB];
	_ =	sdelay $0x3  }
0x93: {  	_ =	strace s4  }
0x94: {  	s4 =	sld [smem:$0x3FFC];
	_ =	sdelay $0x3  }
0x95: {  	_ =	strace s4  }
0x96: {  	s4 =	sld [smem:$0x3FFD];
	_ =	sdelay $0x3  }
0x97: {  	_ =	strace s4  }
0x98: {  	_ =	strace $0x8FFFFFFF  }
0x99: {  	s19 =	sld [smem:$0x3FDB];
	_ =	sdelay $0x1  }
0x9a: {  	s5 =	simm.s32 $_scs_section_size  }
0x9b: {  	s6 =	simm.s32 $_size__tile_overlayer_lowered;
	s7 =	simm.s32 $_tile_overlayer_lowered  }
0x9c: {  	s22 =	simm.s32 $0x1BFF;
	s21 =	sshll.u32 s7, $0x1;
	s4 =	sadd.s32 s5, s19  }
0x9d: {  	s8 =	simm.s32 $0x0;
	s20 =	sshll.u32 s6, $0x1;
	s6 =	sadd.s32 s21, s4  }
0x9e: {  	[timem:s8], [sflag:s22] =	dma.local [hbm:s6], s20  }
0x9f: {  	_ =	swait.ge [sflag:s22], s20  }
0xa0: {  	s5 =	ssub.s32 $0x0, s20;
	[sflag:s22] =	ssyncset.done $0x0  }
0xa1: {  	[sflag:s22] =	ssyncadd.s32 s5;
	_ =	sdelay $0x1  }
0xa2: {  	s23 =	simm.s32 $0x1B8B  }
0xa3: {  	_ =	swait.ge [sflag:s23], $0x1  }
0xa4: {  	[sflag:s23] =	ssyncset.done $0x0  }
0xa5: {  	s25 =	simm.s32 $0x1B8E;
	s24 =	sld [smem:$0x3FFE];
	[sflag:s23] =	ssyncadd.s32 $0xFFFFFFFF  }
0xa6: {  	s26 =	simm.s32 $execute0_lowered;
	[smem:$0x3FD2] =	sst s25  }
0xa7: {  	s6 =	sshll.u32 s26, $0x1;
	_ =	strace $0x80000046;
	[dreg:$0x1] =	wrdreg $0xFFFFFFFF  }
0xa8: {  	s28 =	simm.s32 $_size_execute0_lowered;
	s4 =	sadd.s32 s4, s6;
	[dreg:$0x0] =	wrdreg $0x0  }
0xa9: {  	s6 =	sshll.u32 s28, $0x1;
	[dreg:$0x2] =	wrdreg s4  }
0xaa: {  	[dreg:$0x3] =	wrdreg s6  }
0xab: {  	[dreg:$0x4] =	wrdreg $0xC0  }
0xac: {  	_ =	task [dreg:s8], $0x5FFFF  }
0xad: {  	[dreg:$0x1] =	wrdreg $0xFFFFFFFF  }
0xae: {  	[dreg:$0x0] =	wrdreg $0x60  }
0xaf: {  	[dreg:$0x2] =	wrdreg s24  }
0xb0: {  	[dreg:$0x3] =	wrdreg s2  }
0xb1: {  	[dreg:$0x4] =	wrdreg s18  }
0xb2: {  	[dreg:$0x5] =	wrdreg $0x9  }
0xb3: {  	_ =	task.clear_ibuf [dreg:s8], $0x6FFFF;
	_ =	strace $0x90000046  }
0xb4: {  	s29 =	simm.s32 $0x9;
	_ =	strace $0x80000048  }
0xb5: {  	_ =	swait.ge [sflag:s29], $0x1  }
0xb6: {  	[sflag:s29] =	ssyncadd.s32 $0xFFFFFFFF  }
0xb7: {  	_ =	strace $0x90000048  }
0xb8: {  	_ =	sfence  }
0xb9: {  	s30 =	sld [smem:$0x0];
	_ =	sdelay $0x2  }
0xba: {  	s31 =	sshll.u32 s1, $0xD;
	s1 =	sshrl.u32 s1, $0x2  }
0xbb: {  	s3 =	sand.u32 $0x4000, s31;
	s1 =	sadd.s32 s1, s30  }
0xbc: {  	s0 =	sor.u32 s3, s0;
	s1 =	sshll.u32 s1, $0x11  }
0xbd: {  	s0 =	sor.u32 s1, s0  }
0xbe: {  	s0 =	sadd.s32 $0x8F2B, s0  }
0xbf: {  	[sflag:s0] =	ssyncadd.remote.s32 $0x1  }
0xc0: {  	_ =	sfence.sel $0xFFFF  }
0xc1: {  	[dreg:$0x0] =	wrdreg $0xFFFFFFFF;
	(pc) =	sbr.abs _section_cstart, $3  }
0xc2: {  	[dreg:$0x1] =	wrdreg $0xFFFFFFFF  }
0xc3: {  	_ =	task.clear_ibuf [dreg:s8], $0x2FFFF;
	_ =	strace $0x9FFFFFFF  }
0xc4: {  	(tm) =	ssettm $0x7FFFFFFF  }
0xc5: {  	_ =	shalt  }
tec
execute0_lowered:
.L_overlay_start_1:
0x0: {  	(tag) =	ssettag $0x1  }
0x1: {  	s0 =	rddreg [dreg:$0x1];
	s1 =	srdreg.scid  }
0x2: {  	s4 =	rddreg [dreg:$0x2];
	s2 =	stileid.u32;
	s5 =	simm.s32 $0x0  }
0x3: {  	s9 =	simm.s32 $0x8000;
	s1 =	sand.u32 $0x1, s1;
	s2 =	sshll.u32 s2, $0x6  }
0x4: {  	[smem:$0x7FF] =	sst s5;
	s3 =	sshll.u32 s1, $0x5;
	s1 =	ssub.s32 $0x2, s1  }
0x5: {  	s30 =	sadd.s32 $0x200, s4;
	s3 =	sor.u32 s3, s2;
	s29 =	sshrl.u32 s1, $0x1  }
0x6: {  	[dreg:$0x17] =	wrdreg s3;
	s3 =	sshll.u32 s3, $0x7;
	s1 =	ssub.s32 s1, s29  }
0x7: {  	_ =	strace $0x80000047;
	s0 =	sadd.s32 s0, s3;
	[dreg:$0x19] =	wrdreg s30  }
0x8: {  	s2 =	simm.s32 $0x1;
	s31 =	smax.u32 s1, $0x1;
	[dreg:$0x18] =	wrdreg s0  }
0x9: {  	s3 =	simm.s32 $0x2;
	s1 =	simm.s32 $0x0;
	[dreg:$0x1a] =	wrdreg s31  }
.LBB2_1:
0xa: {  	[dreg:$0x1b] =	wrdreg s1  }
0xb: {  	s30 =	simm.s32 $0x0;
	s0 =	rddreg [dreg:$0x18]  }
0xc: {  	[tilespmem:s30], [sflag:$0x1] =	stream.linear.gather [hbm4b:s0+s30], $0x8000, $0x38;
	[tilespmem:$0x1C000] =	vst v63  }
0xd: {  	s31 =	rddreg [dreg:$0x0]  }
0xe: {  	[tilespmem:s9], [sflag:$0x2] =	stream.linear.gather [hbm4b:s31+s30], $0x10000, $0x38;
	[tilespmem:$0x1C000] =	vst v63  }
0xf: {  	_ =	swait.ge [sflag:s2], $0x8000  }
0x10: {  	[sflag:s2] =	ssyncset.done $0x0  }
0x11: {  	[sflag:s2] =	ssyncadd.s32 $0xFFFF8000  }
0x12: {  	_ =	swait.ge [sflag:s3], $0x10000  }
0x13: {  	[sflag:s3] =	ssyncset.done $0x0  }
0x14: {  	s2 =	simm.s32 $0x0;
	[sflag:s3] =	ssyncadd.s32 $0xFFFF0000  }
.LBB2_2:
0x15: {  	s0 =	sshll.u32 s2, $0x7  }
0x16: {  	s0 =	sand.u32 $0x380, s0  }
0x17: {  	p0 =	seq.s32 s2, $0x0;
	s18 =	sshll.u32 s2, $0xA;
	s3 =	simm.s32 $0x30;
	v0 =	vmov s0  }
0x18: {  	s1 =	simm.s32 @!p0 $0x1;
	s11 =	sand.u32 $0x6000, s18;
	s0 =	simm.s32 $0x0  }
0x19: {  	s15 =	sand.u32 $0x70, s3;
	_ =	swait.ge @!p0 [sflag:s1], $0x2000;
	s16 =	sand.u32 $0xC00, s0  }
0x1a: {  	[dreg:$0x1c] =	wrdreg s2;
	[sflag:s1] =	ssyncset.done @!p0 $0x0;
	s2 =	sadd.s32 s16, s11  }
0x1b: {  	[sflag:s1] =	ssyncadd.s32 @!p0 $0xFFFFE000;
	s19 =	sadd.s32 s15, s2  }
0x1c: {  	s7 =	simm.s32 $0x10;
	s17 =	sand.u32 $0x40, s0;
	v1 =	vld.idx.msk [tilespmem:v0+s19+$0x0 ss:$0x1], $0xffff  }
0x1d: {  	s18 =	sand.u32 $0x50, s7;
	s4 =	sadd.s32 s17, s2  }
0x1e: {  	s1 =	simm.s32 $0x20;
	s5 =	sadd.s32 s18, s2;
	v2 =	vld.idx.msk [tilespmem:v0+s4+$0x0 ss:$0x1], $0xffff  }
0x1f: {  	s19 =	sand.u32 $0x60, s1;
	v3 =	vld.idx.msk [tilespmem:v0+s5+$0x0 ss:$0x1], $0xffff  }
0x20: {  	s2 =	sadd.s32 s19, s2  }
0x21: {  	v5 =	vld.idx.msk [tilespmem:v0+s2+$0x0 ss:$0x1], $0xffff;
	v4 =	vshll.u32 v1, $0x3  }
0x22: {  	v1 =	vand.u32 $0x7F, v1;
	v4 =	vand.u32 $0xFFFFFC00, v4  }
0x23: {  	v6 =	vand.u32 $0x7F, v2;
	v2 =	vshll.u32 v2, $0x3;
	v4 =	vor.u32 v1, v4  }
0x24: {  	v1 =	vand.u32 $0xFFFFFC00, v2;
	v2 =	vand.u32 $0x7F, v3;
	v3 =	vshll.u32 v3, $0x3  }
0x25: {  	v7 =	vand.u32 $0xFFFFFC00, v3;
	v3 =	vor.u32 v6, v1  }
0x26: {  	v8 =	vshll.u32 v5, $0x3;
	v2 =	vor.u32 v2, v7  }
0x27: {  	v1 =	vand.u32 $0x7F, v5;
	v5 =	vand.u32 $0xFFFFFC00, v8  }
0x28: {  	v7 =	vor.u32 v1, v5  }
0x29: {  	v1 =	vld.idx.msk [tilespmem:v4+s9+$0x0], $0xffff  }
0x2a: {  	v5 =	vor.u32 $0x80, v4;
	v6 =	vld.idx.msk [tilespmem:v3+s9+$0x0], $0xffff  }
0x2b: {  	v8 =	vor.u32 $0x80, v3;
	v9 =	vld.idx.msk [tilespmem:v2+s9+$0x0], $0xffff  }
0x2c: {  	s20 =	sor.u32 $0x18000, s16;
	v10 =	vor.u32 $0x80, v2  }
0x2d: {  	s21 =	sor.u32 s15, s20;
	v11 =	vld.idx.msk [tilespmem:v7+s9+$0x0], $0xffff  }
0x2e: {  	s22 =	sor.u32 s17, s20;
	v12 =	vor.u32 $0x80, v7;
	[tilespmem:s21+$0x0] =	vst v1  }
0x2f: {  	s6 =	sor.u32 s18, s20;
	v1 =	vld.idx.msk [tilespmem:v5+s9+$0x0], $0xffff;
	[tilespmem:s22+$0x0] =	vst v6  }
0x30: {  	v5 =	vor.u32 $0x100, v4;
	v6 =	vld.idx.msk [tilespmem:v8+s9+$0x0], $0xffff;
	[tilespmem:s6+$0x0] =	vst v9  }
0x31: {  	s2 =	sor.u32 s19, s20;
	v8 =	vor.u32 $0x100, v3;
	v9 =	vld.idx.msk [tilespmem:v10+s9+$0x0], $0xffff  }
0x32: {  	[tilespmem:s2+$0x0] =	vst v11;
	v10 =	vor.u32 $0x100, v2  }
0x33: {  	v11 =	vld.idx.msk [tilespmem:v12+s9+$0x0], $0xffff  }
0x34: {  	v12 =	vor.u32 $0x100, v7;
	[tilespmem:s21+$0x80] =	vst v1  }
0x35: {  	v1 =	vld.idx.msk [tilespmem:v5+s9+$0x0], $0xffff;
	[tilespmem:s22+$0x80] =	vst v6  }
0x36: {  	v5 =	vor.u32 $0x180, v4;
	v6 =	vld.idx.msk [tilespmem:v8+s9+$0x0], $0xffff;
	[tilespmem:s6+$0x80] =	vst v9  }
0x37: {  	v8 =	vor.u32 $0x180, v3;
	v9 =	vld.idx.msk [tilespmem:v10+s9+$0x0], $0xffff  }
0x38: {  	[tilespmem:s2+$0x80] =	vst v11;
	v10 =	vor.u32 $0x180, v2  }
0x39: {  	v11 =	vld.idx.msk [tilespmem:v12+s9+$0x0], $0xffff  }
0x3a: {  	v12 =	vor.u32 $0x180, v7;
	[tilespmem:s21+$0x100] =	vst v1  }
0x3b: {  	v1 =	vld.idx.msk [tilespmem:v5+s9+$0x0], $0xffff;
	[tilespmem:s22+$0x100] =	vst v6  }
0x3c: {  	v5 =	vor.u32 $0x200, v4;
	v6 =	vld.idx.msk [tilespmem:v8+s9+$0x0], $0xffff;
	[tilespmem:s6+$0x100] =	vst v9  }
0x3d: {  	v8 =	vor.u32 $0x200, v3;
	v9 =	vld.idx.msk [tilespmem:v10+s9+$0x0], $0xffff  }
0x3e: {  	[tilespmem:s2+$0x100] =	vst v11;
	v10 =	vor.u32 $0x200, v2  }
0x3f: {  	v11 =	vld.idx.msk [tilespmem:v12+s9+$0x0], $0xffff  }
0x40: {  	v12 =	vor.u32 $0x200, v7;
	[tilespmem:s21+$0x180] =	vst v1  }
0x41: {  	s23 =	sand.u32 $0x7, s0;
	v1 =	vld.idx.msk [tilespmem:v5+s9+$0x0], $0xffff;
	[tilespmem:s22+$0x180] =	vst v6  }
0x42: {  	p1 =	por $0x0, $0x0;
	s4 =	sshll.u32 s23, $0x4;
	s5 =	simm.s32 $0x1;
	v5 =	vor.u32 $0x280, v4;
	v6 =	vld.idx.msk [tilespmem:v8+s9+$0x0], $0xffff;
	[tilespmem:s6+$0x180] =	vst v9  }
0x43: {  	s4 =	sadd.s32 $0x0, s4;
	s5 =	simm.s32 @!p1 $0x0;
	v8 =	vor.u32 $0x280, v3;
	v9 =	vld.idx.msk [tilespmem:v10+s9+$0x0], $0xffff  }
0x44: {  	s24 =	sadd.s32 $0x30, s4;
	s5 =	sshll.u32 s5, $0x6;
	[tilespmem:s2+$0x180] =	vst v11;
	v10 =	vor.u32 $0x280, v2  }
0x45: {  	s25 =	sand.u32 $0x3, s0;
	s8 =	sor.u32 $0x200, s24;
	s5 =	sadd.s32 $0x0, s5;
	v11 =	vld.idx.msk [tilespmem:v12+s9+$0x0], $0xffff  }
0x46: {  	s4 =	sadd.s32 $0x10, s4;
	s26 =	sor.u32 $0x200, s5;
	s6 =	sshll.u32 s25, $0x5;
	v12 =	vor.u32 $0x280, v7;
	[tilespmem:s8+$0x18000] =	vst v1  }
0x47: {  	s10 =	sor.u32 $0x200, s4;
	s6 =	sadd.s32 $0x0, s6;
	v1 =	vld.idx.msk [tilespmem:v5+s9+$0x0], $0xffff;
	[tilespmem:s26+$0x18000] =	vst v6  }
0x48: {  	s6 =	sadd.s32 $0x20, s6;
	v5 =	vor.u32 $0x300, v4;
	v6 =	vld.idx.msk [tilespmem:v8+s9+$0x0], $0xffff;
	[tilespmem:s10+$0x18000] =	vst v9  }
0x49: {  	s28 =	sor.u32 $0x200, s6;
	v8 =	vor.u32 $0x300, v3;
	v9 =	vld.idx.msk [tilespmem:v10+s9+$0x0], $0xffff  }
0x4a: {  	[tilespmem:s28+$0x18000] =	vst v11;
	v10 =	vor.u32 $0x300, v2  }
0x4b: {  	s10 =	sor.u32 $0x280, s24;
	v11 =	vld.idx.msk [tilespmem:v12+s9+$0x0], $0xffff  }
0x4c: {  	s12 =	sor.u32 $0x280, s5;
	v12 =	vor.u32 $0x300, v7;
	[tilespmem:s10+$0x18000] =	vst v1  }
0x4d: {  	s13 =	sor.u32 $0x280, s4;
	v1 =	vld.idx.msk [tilespmem:v5+s9+$0x0], $0xffff;
	[tilespmem:s12+$0x18000] =	vst v6  }
0x4e: {  	v6 =	vld.idx.msk [tilespmem:v8+s9+$0x0], $0xffff;
	[tilespmem:s13+$0x18000] =	vst v9  }
0x4f: {  	s14 =	sor.u32 $0x280, s6;
	v5 =	vor.u32 $0x380, v4;
	v9 =	vld.idx.msk [tilespmem:v10+s9+$0x0], $0xffff  }
0x50: {  	v8 =	vor.u32 $0x380, v3;
	[tilespmem:s14+$0x18000] =	vst v11  }
0x51: {  	s2 =	sor.u32 $0x300, s24;
	v10 =	vor.u32 $0x380, v2;
	v11 =	vld.idx.msk [tilespmem:v12+s9+$0x0], $0xffff  }
0x52: {  	s20 =	sor.u32 $0x300, s5;
	v12 =	vor.u32 $0x380, v7;
	[tilespmem:s2+$0x18000] =	vst v1  }
0x53: {  	s4 =	sor.u32 $0x300, s4;
	[tilespmem:s20+$0x18000] =	vst v6  }
0x54: {  	s31 =	simm.s32 $0x200;
	s30 =	simm.s32 $0x70;
	s22 =	sor.u32 s3, s0;
	v1 =	vld.idx.msk [tilespmem:v5+s9+$0x0], $0xffff;
	[tilespmem:s4+$0x18000] =	vst v9  }
0x55: {  	s21 =	sor.u32 $0x300, s6;
	s2 =	sand.u32 $0xC00, s31;
	v5 =	vadd.s32 $0x8000, v4;
	v6 =	vld.idx.msk [tilespmem:v8+s9+$0x0], $0xffff;
	[dreg:$0x4] =	wrdreg s11  }
0x56: {  	s20 =	simm.s32 $0x50;
	s4 =	sand.u32 $0x70, s30;
	s11 =	sadd.s32 s2, s11;
	v8 =	vld.idx.msk [tilespmem:v10+s9+$0x0], $0xffff;
	[tilespmem:s21+$0x18000] =	vst v11  }
0x57: {  	s3 =	simm.s32 $0x40;
	s10 =	sand.u32 $0x50, s20;
	s23 =	sadd.s32 s4, s11;
	v9 =	vld.idx.msk [tilespmem:v12+s9+$0x0], $0xffff  }
0x58: {  	s24 =	sor.u32 $0x380, s22;
	s13 =	sor.u32 s0, s0;
	v10 =	vadd.s32 $0x8000, v3;
	s14 =	sadd.s32 s10, s11;
	v11 =	vld.idx.msk [tilespmem:v0+s23+$0x0 ss:$0x1], $0xffff  }
0x59: {  	s5 =	simm.s32 $0x60;
	s6 =	sand.u32 $0x40, s3;
	s25 =	sor.u32 $0x380, s13;
	v13 =	vld.idx.msk [tilespmem:v0+s14+$0x0 ss:$0x1], $0xffff;
	[tilespmem:s24+$0x18000] =	vst v1  }
0x5a: {  	s8 =	sand.u32 $0x60, s5;
	s12 =	sadd.s32 s6, s11;
	v1 =	vld.idx.msk [tilespmem:v5+s9+$0x0], $0xffff;
	v5 =	vadd.s32 $0x8000, v2;
	[tilespmem:s25+$0x18000] =	vst v6  }
0x5b: {  	s7 =	sor.u32 s7, s0;
	s11 =	sadd.s32 s8, s11;
	v12 =	vld.idx.msk [tilespmem:v0+s12+$0x0 ss:$0x1], $0xffff;
	[tilespmem:$0x1FFE0] =	vst v0  }
0x5c: {  	s7 =	sor.u32 $0x380, s7;
	v14 =	vadd.s32 $0x8080, v4;
	v17 =	vadd.s32 $0x8080, v3;
	s0 =	sor.u32 s1, s0;
	v6 =	vld.idx.msk [tilespmem:v0+s11+$0x0 ss:$0x1], $0xffff  }
0x5d: {  	v15 =	vadd.s32 $0x8000, v7;
	s26 =	sor.u32 $0x19000, s16;
	s0 =	sor.u32 $0x380, s0;
	v10 =	vld.idx.msk [tilespmem:v10+s9+$0x0], $0xffff;
	[tilespmem:s7+$0x18000] =	vst v8;
	v16 =	vshll.u32 v11, $0x3;
	v8 =	vand.u32 $0x7F, v11  }
0x5e: {  	s28 =	sor.u32 s15, s26;
	[tilespmem:s0+$0x18000] =	vst v9;
	v9 =	vand.u32 $0x7F, v13;
	v13 =	vshll.u32 v13, $0x3;
	v11 =	vand.u32 $0xFFFFFC00, v16  }
0x5f: {  	v13 =	vand.u32 $0xFFFFFC00, v13;
	v5 =	vld.idx.msk [tilespmem:v5+s9+$0x0], $0xffff;
	[tilespmem:s28+$0x0] =	vst v1;
	v1 =	vor.u32 v8, v11  }
0x60: {  	v24 =	vor.u32 v9, v13  }
0x61: {  	s12 =	sor.u32 s17, s26;
	v16 =	vshll.u32 v12, $0x3;
	v8 =	vadd.s32 $0x8080, v2;
	v11 =	vand.u32 $0x7F, v12;
	v12 =	vld.idx.msk [tilespmem:v14+s9+$0x0], $0xffff  }
0x62: {  	v15 =	vld.idx.msk [tilespmem:v15+s9+$0x0], $0xffff;
	v14 =	vand.u32 $0xFFFFFC00, v16;
	v16 =	vadd.s32 $0x8100, v4;
	v18 =	vshll.u32 v6, $0x3;
	[tilespmem:s12+$0x0] =	vst v10  }
0x63: {  	s13 =	sor.u32 s18, s26;
	v23 =	vor.u32 v11, v14;
	v6 =	vand.u32 $0x7F, v6;
	v10 =	vand.u32 $0xFFFFFC00, v18;
	v9 =	vld.idx.msk [tilespmem:v17+s9+$0x0], $0xffff  }
0x64: {  	s14 =	sor.u32 $0x19080, s16;
	v34 =	vor.u32 v6, v10;
	[tilespmem:s13+$0x0] =	vst v5;
	v5 =	vld.idx.msk [tilespmem:v1+s9+$0x0], $0xffff  }
0x65: {  	s22 =	sor.u32 s15, s14;
	v6 =	vadd.s32 $0x8080, v7;
	v14 =	vld.idx.msk [tilespmem:v24+s9+$0x0], $0xffff  }
0x66: {  	s23 =	sor.u32 s19, s26;
	v10 =	vor.u32 $0x80, v1;
	v8 =	vld.idx.msk [tilespmem:v8+s9+$0x0], $0xffff;
	[tilespmem:s22+$0x0] =	vst v12  }
0x67: {  	s24 =	sor.u32 s17, s14;
	s25 =	sor.u32 $0x18000, s2;
	[tilespmem:s23+$0x0] =	vst v15;
	v12 =	vadd.s32 $0x8100, v3;
	v11 =	vld.idx.msk [tilespmem:v16+s9+$0x0], $0xffff  }
0x68: {  	s12 =	sor.u32 s4, s25;
	v15 =	vadd.s32 $0x8180, v4;
	v13 =	vld.idx.msk [tilespmem:v23+s9+$0x0], $0xffff;
	[tilespmem:s24+$0x0] =	vst v9  }
0x69: {  	s1 =	sor.u32 s10, s25;
	v16 =	vor.u32 $0x80, v23;
	v17 =	vld.idx.msk [tilespmem:v34+s9+$0x0], $0xffff;
	[tilespmem:s12+$0x0] =	vst v5  }
0x6a: {  	s26 =	sor.u32 s18, s14;
	s28 =	sor.u32 $0x19100, s16;
	v9 =	vor.u32 $0x80, v24;
	v5 =	vld.idx.msk [tilespmem:v6+s9+$0x0], $0xffff;
	[tilespmem:s1+$0x0] =	vst v14  }
0x6b: {  	s21 =	sor.u32 s15, s28;
	v6 =	vor.u32 $0x80, v34;
	v10 =	vld.idx.msk [tilespmem:v10+s9+$0x0], $0xffff;
	[tilespmem:s26+$0x0] =	vst v8  }
0x6c: {  	s11 =	sor.u32 s6, s25;
	v8 =	vadd.s32 $0x8100, v2;
	v12 =	vld.idx.msk [tilespmem:v12+s9+$0x0], $0xffff;
	[tilespmem:s21+$0x0] =	vst v11  }
0x6d: {  	s7 =	sor.u32 s8, s25;
	[tilespmem:s11+$0x0] =	vst v13;
	v11 =	vor.u32 $0x100, v1;
	v13 =	vld.idx.msk [tilespmem:v15+s9+$0x0], $0xffff  }
0x6e: {  	s22 =	sor.u32 s19, s14;
	v15 =	vadd.s32 $0x8100, v7;
	v16 =	vld.idx.msk [tilespmem:v16+s9+$0x0], $0xffff;
	[tilespmem:s7+$0x0] =	vst v17  }
0x6f: {  	v14 =	vadd.s32 $0x8200, v4;
	v9 =	vld.idx.msk [tilespmem:v9+s9+$0x0], $0xffff;
	[tilespmem:s22+$0x0] =	vst v5  }
0x70: {  	s23 =	sor.u32 s17, s28;
	s13 =	sor.u32 $0x19180, s16;
	v17 =	vor.u32 $0x100, v23;
	v6 =	vld.idx.msk [tilespmem:v6+s9+$0x0], $0xffff;
	[tilespmem:s12+$0x80] =	vst v10  }
0x71: {  	s24 =	sor.u32 s15, s13;
	v5 =	vor.u32 $0x100, v24;
	v8 =	vld.idx.msk [tilespmem:v8+s9+$0x0], $0xffff;
	[tilespmem:s23+$0x0] =	vst v12  }
0x72: {  	v10 =	vor.u32 $0x100, v34;
	v11 =	vld.idx.msk [tilespmem:v11+s9+$0x0], $0xffff;
	[tilespmem:s24+$0x0] =	vst v13  }
0x73: {  	v12 =	vadd.s32 $0x8180, v3;
	v15 =	vld.idx.msk [tilespmem:v15+s9+$0x0], $0xffff;
	[tilespmem:s11+$0x80] =	vst v16  }
0x74: {  	v13 =	vor.u32 $0x180, v1;
	[tilespmem:s1+$0x80] =	vst v9;
	v14 =	vld.idx.msk [tilespmem:v14+s9+$0x0], $0xffff  }
0x75: {  	s25 =	sor.u32 s18, s28;
	v16 =	vadd.s32 $0x8180, v2;
	v17 =	vld.idx.msk [tilespmem:v17+s9+$0x0], $0xffff;
	[tilespmem:s7+$0x80] =	vst v6  }
0x76: {  	v5 =	vld.idx.msk [tilespmem:v5+s9+$0x0], $0xffff;
	v6 =	vadd.s32 $0x8280, v4;
	[tilespmem:s25+$0x0] =	vst v8  }
0x77: {  	s0 =	sor.u32 $0x19200, s16;
	s14 =	sor.u32 s19, s28;
	v9 =	vor.u32 $0x180, v23;
	v10 =	vld.idx.msk [tilespmem:v10+s9+$0x0], $0xffff;
	[tilespmem:s12+$0x100] =	vst v11  }
0x78: {  	s26 =	sor.u32 s15, s0;
	v8 =	vor.u32 $0x180, v24;
	v11 =	vld.idx.msk [tilespmem:v12+s9+$0x0], $0xffff;
	[tilespmem:s14+$0x0] =	vst v15  }
0x79: {  	v12 =	vor.u32 $0x180, v34;
	v13 =	vld.idx.msk [tilespmem:v13+s9+$0x0], $0xffff;
	[tilespmem:s26+$0x0] =	vst v14  }
0x7a: {  	v15 =	vadd.s32 $0x8180, v7;
	v16 =	vld.idx.msk [tilespmem:v16+s9+$0x0], $0xffff;
	[tilespmem:s11+$0x100] =	vst v17  }
0x7b: {  	v14 =	vor.u32 $0x200, v1;
	v6 =	vld.idx.msk [tilespmem:v6+s9+$0x0], $0xffff;
	[tilespmem:s1+$0x100] =	vst v5  }
0x7c: {  	s28 =	sor.u32 s17, s13;
	v17 =	vadd.s32 $0x8200, v3;
	v9 =	vld.idx.msk [tilespmem:v9+s9+$0x0], $0xffff;
	[tilespmem:s7+$0x100] =	vst v10  }
0x7d: {  	v5 =	vld.idx.msk [tilespmem:v8+s9+$0x0], $0xffff;
	v8 =	vadd.s32 $0x8300, v4;
	[tilespmem:s28+$0x0] =	vst v11  }
0x7e: {  	s21 =	sor.u32 s18, s13;
	v10 =	vor.u32 $0x200, v23;
	v12 =	vld.idx.msk [tilespmem:v12+s9+$0x0], $0xffff;
	[tilespmem:s12+$0x180] =	vst v13;
	s12 =	sor.u32 $0x19280, s16  }
0x7f: {  	s14 =	simm.s32 $0x4;
	v11 =	vor.u32 $0x200, v24;
	v13 =	vld.idx.msk [tilespmem:v15+s9+$0x0], $0xffff;
	[tilespmem:s21+$0x0] =	vst v16;
	s21 =	sor.u32 s15, s12  }
0x80: {  	s22 =	sand.u32 $0x7, s14;
	v15 =	vor.u32 $0x200, v34;
	v14 =	vld.idx.msk [tilespmem:v14+s9+$0x0], $0xffff;
	[tilespmem:s21+$0x0] =	vst v6  }
0x81: {  	s22 =	sshll.u32 s22, $0x4;
	v16 =	vadd.s32 $0x8200, v2;
	v17 =	vld.idx.msk [tilespmem:v17+s9+$0x0], $0xffff;
	[tilespmem:s11+$0x180] =	vst v9  }
0x82: {  	p1 =	por !p1, !p1;
	s13 =	sor.u32 s19, s13;
	s22 =	sadd.s32 $0x200, s22;
	v6 =	vor.u32 $0x280, v1;
	v8 =	vld.idx.msk [tilespmem:v8+s9+$0x0], $0xffff;
	[tilespmem:s1+$0x180] =	vst v5  }
0x83: {  	s23 =	simm.s32 $0x2;
	s25 =	sadd.s32 $0x30, s22;
	v9 =	vadd.s32 $0x8200, v7;
	v10 =	vld.idx.msk [tilespmem:v10+s9+$0x0], $0xffff;
	s1 =	simm.s32 $0x1;
	[tilespmem:s7+$0x180] =	vst v12  }
0x84: {  	s24 =	sand.u32 $0x3, s23;
	s26 =	sor.u32 $0x200, s25;
	v11 =	vld.idx.msk [tilespmem:v11+s9+$0x0], $0xffff;
	v12 =	vadd.s32 $0x8380, v4;
	s1 =	simm.s32 @!p1 $0x0;
	[tilespmem:s13+$0x0] =	vst v13  }
0x85: {  	s23 =	sor.u32 $0x19300, s16;
	s28 =	sor.u32 s17, s0;
	v15 =	vld.idx.msk [tilespmem:v15+s9+$0x0], $0xffff;
	s1 =	sshll.u32 s1, $0x6;
	[tilespmem:s26+$0x18000] =	vst v14  }
0x86: {  	v18 =	vor.u32 $0x280, v23;
	s7 =	sshll.u32 s24, $0x5;
	s13 =	sor.u32 s15, s23;
	v14 =	vld.idx.msk [tilespmem:v16+s9+$0x0], $0xffff;
	s21 =	sadd.s32 $0x200, s1;
	[tilespmem:s28+$0x0] =	vst v17  }
0x87: {  	s11 =	sadd.s32 $0x10, s22;
	v13 =	vor.u32 $0x280, v24;
	s7 =	sadd.s32 $0x200, s7;
	v20 =	vld.idx.msk [tilespmem:v6+s9+$0x0], $0xffff;
	s24 =	sor.u32 $0x200, s21;
	[tilespmem:s13+$0x0] =	vst v8  }
0x88: {  	v19 =	vor.u32 $0x280, v34;
	s26 =	sadd.s32 $0x20, s7;
	s28 =	sor.u32 $0x200, s11;
	v9 =	vld.idx.msk [tilespmem:v9+s9+$0x0], $0xffff;
	[tilespmem:s24+$0x18000] =	vst v10  }
0x89: {  	v16 =	vadd.s32 $0x8280, v3;
	s7 =	sor.u32 $0x200, s26;
	v10 =	vld.idx.msk [tilespmem:v12+s9+$0x0], $0xffff;
	[tilespmem:s28+$0x18000] =	vst v11  }
0x8a: {  	s22 =	sor.u32 s18, s0;
	v8 =	vor.u32 $0x300, v1;
	[tilespmem:s7+$0x18000] =	vst v15  }
0x8b: {  	v41 =	vadd.s32 $0x8300, v3;
	v45 =	vadd.s32 $0x8380, v3;
	v25 =	vadd.s32 $0x8280, v2;
	v11 =	vld.idx.msk [tilespmem:v18+s9+$0x0], $0xffff;
	s7 =	sor.u32 $0x280, s25;
	[tilespmem:s22+$0x0] =	vst v14  }
0x8c: {  	v32 =	vadd.s32 $0x8280, v7;
	v46 =	vadd.s32 $0x8300, v7;
	v44 =	vadd.s32 $0x8380, v2;
	s16 =	sor.u32 $0x19380, s16;
	s24 =	sor.u32 s19, s0;
	v12 =	vld.idx.msk [tilespmem:v13+s9+$0x0], $0xffff;
	[tilespmem:s7+$0x18000] =	vst v20  }
0x8d: {  	v43 =	vadd.s32 $0x8380, v7;
	v33 =	vor.u32 $0x300, v24;
	v29 =	vor.u32 $0x380, v24;
	s15 =	sor.u32 s15, s16;
	s1 =	sor.u32 s18, s12;
	v35 =	vld.idx.msk [tilespmem:v19+s9+$0x0], $0xffff;
	[tilespmem:s24+$0x0] =	vst v9  }
0x8e: {  	v26 =	vadd.s32 $0x8000, v24;
	v0 =	vadd.s32 $0x8100, v24;
	v7 =	vor.u32 $0x300, v23;
	s13 =	sor.u32 s19, s12;
	s0 =	sor.u32 s19, s23;
	s28 =	sor.u32 s17, s12;
	v40 =	vld.idx.msk [tilespmem:v16+s9+$0x0], $0xffff;
	[tilespmem:s15+$0x0] =	vst v10  }
0x8f: {  	v21 =	vadd.s32 $0x8080, v24;
	v57 =	vadd.s32 $0x8180, v24;
	v30 =	vor.u32 $0x380, v23;
	s12 =	sor.u32 s17, s23;
	s22 =	sor.u32 s19, s16;
	s19 =	sor.u32 $0x280, s21;
	v42 =	vld.idx.msk [tilespmem:v8+s9+$0x0], $0xffff;
	[tilespmem:$0x1FFF0] =	vst v0  }
0x90: {  	v27 =	vadd.s32 $0x8000, v23;
	v58 =	vadd.s32 $0x8100, v23;
	v56 =	vadd.s32 $0x8180, v23;
	s7 =	sor.u32 s18, s23;
	s24 =	sor.u32 s17, s16;
	s17 =	sor.u32 $0x280, s11;
	[tilespmem:s19+$0x18000] =	vst v11  }
0x91: {  	v51 =	vadd.s32 $0x8200, v23;
	v37 =	vor.u32 $0x300, v34;
	v31 =	vor.u32 $0x380, v34;
	s15 =	sor.u32 $0x280, s26;
	v38 =	vld.idx.msk [tilespmem:v25+s9+$0x0], $0xffff;
	[tilespmem:s17+$0x18000] =	vst v12;
	s19 =	sor.u32 s20, s31;
	s20 =	sor.u32 s3, s31  }
0x92: {  	v28 =	vadd.s32 $0x8000, v34;
	v17 =	vadd.s32 $0x8180, v34;
	v6 =	vadd.s32 $0x8300, v2;
	s23 =	sor.u32 s18, s16;
	s18 =	sor.u32 $0x300, s26;
	v39 =	vld.idx.msk [tilespmem:v32+s9+$0x0], $0xffff;
	[tilespmem:s15+$0x18000] =	vst v35;
	s26 =	sor.u32 $0x380, s20  }
0x93: {  	s5 =	sor.u32 s5, s31;
	v18 =	vadd.s32 $0x8080, v34;
	v15 =	vadd.s32 $0x8080, v23;
	v13 =	vadd.s32 $0x8200, v24;
	v36 =	vld.idx.msk [tilespmem:v7+s9+$0x0], $0xffff;
	[dreg:$0x8] =	wrdreg s26  }
0x94: {  	s5 =	sor.u32 $0x380, s5;
	v14 =	vadd.s32 $0x8200, v34;
	v20 =	vadd.s32 $0x8100, v34;
	v9 =	vadd.s32 $0x8280, v23;
	[tilespmem:s28+$0x0] =	vst v40  }
0x95: {  	s29 =	simm.s32 $0x200;
	p1 =	por !p1, !p1;
	v10 =	vadd.s32 $0x8280, v24;
	v12 =	vadd.s32 $0x8280, v34;
	v11 =	vadd.s32 $0x8300, v23;
	v35 =	vld.idx.msk [tilespmem:v33+s9+$0x0], $0xffff;
	[dreg:$0x7] =	wrdreg s5  }
0x96: {  	s21 =	sor.u32 $0x300, s21;
	s11 =	sor.u32 $0x300, s11;
	v32 =	vadd.s32 $0x8300, v34;
	v25 =	vadd.s32 $0x8380, v23;
	v23 =	vadd.s32 $0x8380, v34;
	s28 =	sor.u32 $0x300, s25;
	v37 =	vld.idx.msk [tilespmem:v37+s9+$0x0], $0xffff  }
0x97: {  	s17 =	simm.s32 $0x4;
	s19 =	sor.u32 $0x380, s19;
	s20 =	simm.s32 $0x4;
	v33 =	vadd.s32 $0x8300, v24;
	v24 =	vadd.s32 $0x8380, v24;
	v40 =	vor.u32 $0x380, v1;
	[tilespmem:s28+$0x18000] =	vst v42;
	v34 =	vld.idx.msk [tilespmem:v41+s9+$0x0], $0xffff  }
.LBB2_3:
0x98: {  	_ = 	snop  }
0x99: {  	v0 =	vmov v32  }
0x9a: {  	[tilespmem:$0x1FFC0] =	vst v0;
	v0 =	vld [tilespmem:$0x1FFE0];
	_ =	sdelay $0x1  }
0x9b: {  	v40 =	vld.idx.msk [tilespmem:v40+s9+$0x0], $0xffff;
	[tilespmem:s1+$0x0] =	vst v38  }
0x9c: {  	s5 =	sand.u32 $0x3, s20;
	s31 =	sadd.s32 $0x200, s31;
	[tilespmem:s13+$0x0] =	vst v39;
	v38 =	vld.idx.msk [tilespmem:v6+s9+$0x0], $0xffff  }
0x9d: {  	s3 =	sadd.s32 $0x40, s3;
	s16 =	sshll.u32 s5, $0x5;
	s25 =	sand.u32 $0xC00, s31;
	[tilespmem:s21+$0x18000] =	vst v36;
	v62 =	vld.idx.msk [tilespmem:v46+s9+$0x0], $0xffff  }
0x9e: {  	v61 =	vadd.s32 $0x8000, v1;
	s28 =	sadd.s32 $0x30, s3;
	s1 =	sadd.s32 s31, s16;
	s16 =	rddreg [dreg:$0x4];
	v30 =	vld.idx.msk [tilespmem:v30+s9+$0x0], $0xffff;
	[tilespmem:s11+$0x18000] =	vst v35  }
0x9f: {  	s26 =	sand.u32 $0x70, s28;
	s11 =	sadd.s32 s25, s16;
	[tilespmem:s18+$0x18000] =	vst v37;
	v29 =	vld.idx.msk [tilespmem:v29+s9+$0x0], $0xffff  }
0xa0: {  	[tilespmem:$0x1FF90] =	vst v9;
	s21 =	sor.u32 s30, s29;
	s30 =	sand.u32 $0x40, s3;
	s16 =	sadd.s32 s26, s11;
	v31 =	vld.idx.msk [tilespmem:v31+s9+$0x0], $0xffff  }
0xa1: {  	s13 =	sadd.s32 $0x10, s3;
	s5 =	sor.u32 $0x380, s21;
	[tilespmem:s12+$0x0] =	vst v34;
	s21 =	sadd.s32 s30, s11;
	v63 =	vld.idx.msk [tilespmem:v0+s16+$0x0 ss:$0x1], $0xffff  }
0xa2: {  	[dreg:$0x9] =	wrdreg s28;
	s28 =	sand.u32 $0x50, s13;
	s12 =	sadd.s32 $0x20, s3;
	[tilespmem:s5+$0x18000] =	vst v40;
	v34 =	vld.idx.msk [tilespmem:v0+s21+$0x0 ss:$0x1], $0xffff  }
0xa3: {  	s15 =	simm.s32 $0x1;
	v2 =	vmov v33;
	s18 =	sadd.s32 s28, s11;
	s5 =	sand.u32 $0x60, s12;
	[tilespmem:s7+$0x0] =	vst v38;
	v33 =	vld.idx.msk [tilespmem:v61+s9+$0x0], $0xffff  }
0xa4: {  	s15 =	simm.s32 @!p1 $0x0;
	[tilespmem:s0+$0x0] =	vst v62;
	s11 =	sadd.s32 s5, s11;
	v35 =	vld.idx.msk [tilespmem:v0+s18+$0x0 ss:$0x1], $0xffff  }
0xa5: {  	s15 =	sshll.u32 s15, $0x6;
	s1 =	sadd.s32 $0x20, s1;
	s18 =	rddreg [dreg:$0x8];
	[tilespmem:s19+$0x18000] =	vst v29;
	v36 =	vld.idx.msk [tilespmem:v0+s11+$0x0 ss:$0x1], $0xffff  }
0xa6: {  	s7 =	sadd.s32 s15, s31;
	s15 =	sor.u32 $0x200, s1;
	s19 =	rddreg [dreg:$0x7];
	[tilespmem:s18+$0x18000] =	vst v30;
	v30 =	vadd.s32 $0x8080, v1;
	v26 =	vld.idx.msk [tilespmem:v26+s9+$0x0], $0xffff  }
0xa7: {  	s16 =	sor.u32 $0x280, s1;
	s21 =	sor.u32 $0x200, s7;
	[dreg:$0xf] =	wrdreg s15;
	[tilespmem:s19+$0x18000] =	vst v31;
	v27 =	vld.idx.msk [tilespmem:v27+s9+$0x0], $0xffff  }
0xa8: {  	[tilespmem:$0x1FFA0] =	vst v10;
	[dreg:$0xa] =	wrdreg s16;
	s15 =	sor.u32 s13, s31;
	s18 =	sor.u32 $0x19000, s2;
	v28 =	vld.idx.msk [tilespmem:v28+s9+$0x0], $0xffff;
	v29 =	vshll.u32 v63, $0x3;
	v31 =	vand.u32 $0x7F, v63;
	v41 =	vand.u32 $0x7F, v34  }
0xa9: {  	[tilespmem:$0x1FFB0] =	vst v2;
	s16 =	sor.u32 s12, s31;
	[dreg:$0x10] =	wrdreg s21;
	v38 =	vld.idx.msk [tilespmem:v44+s9+$0x0], $0xffff;
	s13 =	sor.u32 s4, s18;
	v42 =	vshll.u32 v34, $0x3;
	v29 =	vand.u32 $0xFFFFFC00, v29;
	v46 =	vshll.u32 v35, $0x3  }
0xaa: {  	v2 =	vmovc v25;
	s11 =	sor.u32 $0x300, s1;
	s1 =	sor.u32 $0x380, s16;
	s16 =	sor.u32 s10, s18;
	v47 =	vld.idx.msk [tilespmem:v45+s9+$0x0], $0xffff;
	[tilespmem:s13+$0x0] =	vst v33;
	v34 =	vor.u32 v31, v29;
	v31 =	vand.u32 $0x7F, v35;
	v25 =	vand.u32 $0xFFFFFC00, v46  }
0xab: {  	v9 =	vmovc v14;
	v14 =	vmov v13;
	v13 =	vmov v51;
	s21 =	sor.u32 $0x280, s7;
	s0 =	sor.u32 $0x380, s15;
	s15 =	sor.u32 s6, s18;
	v29 =	vld.idx.msk [tilespmem:v30+s9+$0x0], $0xffff;
	[tilespmem:s16+$0x0] =	vst v26;
	v51 =	vor.u32 v31, v25  }
0xac: {  	v59 =	vadd.s32 $0x8100, v1;
	[dreg:$0xc] =	wrdreg s21;
	s21 =	sor.u32 $0x300, s7;
	s7 =	sor.u32 s8, s18;
	v30 =	vand.u32 $0xFFFFFC00, v42;
	v55 =	vshll.u32 v36, $0x3;
	[tilespmem:s15+$0x0] =	vst v27;
	v27 =	vld.idx.msk [tilespmem:v43+s9+$0x0], $0xffff  }
0xad: {  	v10 =	vmovc v24;
	v24 =	vor.u32 v41, v30;
	v30 =	vand.u32 $0x7F, v36;
	v60 =	vand.u32 $0xFFFFFC00, v55;
	[tilespmem:s7+$0x0] =	vst v28;
	v21 =	vld.idx.msk [tilespmem:v21+s9+$0x0], $0xffff  }
0xae: {  	s18 =	sor.u32 $0x19080, s2;
	[tilespmem:s23+$0x0] =	vst v38;
	v52 =	vor.u32 v30, v60;
	v22 =	vld.idx.msk [tilespmem:v15+s9+$0x0], $0xffff  }
0xaf: {  	s15 =	sor.u32 s4, s18;
	[tilespmem:s24+$0x0] =	vst v47;
	v26 =	vld.idx.msk [tilespmem:v34+s9+$0x0], $0xffff  }
0xb0: {  	v28 =	vor.u32 $0x80, v34;
	[tilespmem:s15+$0x0] =	vst v29;
	v45 =	vld.idx.msk [tilespmem:v51+s9+$0x0], $0xffff  }
0xb1: {  	s13 =	sor.u32 s10, s18;
	v25 =	vor.u32 $0x80, v51;
	v61 =	vld.idx.msk [tilespmem:v59+s9+$0x0], $0xffff;
	[tilespmem:s22+$0x0] =	vst v27  }
0xb2: {  	[dreg:$0xb] =	wrdreg s11;
	s19 =	sor.u32 s6, s18;
	s16 =	sor.u32 $0x18000, s25;
	v41 =	vld.idx.msk [tilespmem:v24+s9+$0x0], $0xffff;
	[tilespmem:s13+$0x0] =	vst v21  }
0xb3: {  	s12 =	sor.u32 s3, s31;
	v0 =	vmov v23;
	[dreg:$0x7] =	wrdreg s1;
	s1 =	sor.u32 s26, s16;
	v23 =	vor.u32 $0x80, v24;
	v47 =	vld.idx.msk [tilespmem:v52+s9+$0x0], $0xffff;
	[tilespmem:s19+$0x0] =	vst v22  }
0xb4: {  	[dreg:$0xe] =	wrdreg s0;
	s11 =	sor.u32 $0x380, s12;
	s0 =	sor.u32 s28, s16;
	v19 =	vld.idx.msk [tilespmem:v58+s9+$0x0], $0xffff;
	[tilespmem:s1+$0x0] =	vst v26  }
0xb5: {  	v4 =	vadd.s32 $0x8200, v1;
	v62 =	vadd.s32 $0x8180, v1;
	[dreg:$0x8] =	wrdreg s11;
	v22 =	vmov v57;
	v57 =	vld.idx.msk [tilespmem:v28+s9+$0x0], $0xffff;
	[tilespmem:s0+$0x0] =	vst v45  }
0xb6: {  	[tilespmem:$0x1FF80] =	vst v0;
	s11 =	sor.u32 s8, s18;
	s7 =	sor.u32 s30, s16;
	s18 =	sor.u32 $0x19100, s2;
	v53 =	vor.u32 $0x100, v24;
	v48 =	vor.u32 $0x180, v24;
	v54 =	vor.u32 $0x100, v51;
	v0 =	vld.idx.msk [tilespmem:v25+s9+$0x0], $0xffff  }
0xb7: {  	v50 =	vor.u32 $0x180, v51;
	v44 =	vor.u32 $0x200, v24;
	s23 =	sor.u32 s4, s18;
	v32 =	vor.u32 $0x80, v52;
	[tilespmem:s7+$0x0] =	vst v41;
	v25 =	vld [tilespmem:$0x1FFF0]  }
0xb8: {  	v43 =	vor.u32 $0x200, v51;
	v39 =	vor.u32 $0x280, v24;
	v59 =	vor.u32 $0x100, v34;
	[tilespmem:s23+$0x0] =	vst v61;
	v61 =	vld.idx.msk [tilespmem:v23+s9+$0x0], $0xffff  }
0xb9: {  	v16 =	vmovc v56;
	[tilespmem:$0x1FFD0] =	vst v2;
	s12 =	sor.u32 s5, s16;
	v38 =	vor.u32 $0x280, v51;
	v36 =	vor.u32 $0x300, v24;
	v35 =	vor.u32 $0x300, v51;
	v56 =	vld.idx.msk [tilespmem:v18+s9+$0x0], $0xffff  }
0xba: {  	v30 =	vor.u32 $0x380, v24;
	v15 =	vadd.s32 $0x8080, v24;
	v2 =	vadd.s32 $0x8180, v51;
	s19 =	sor.u32 s6, s18;
	v60 =	vld.idx.msk [tilespmem:v62+s9+$0x0], $0xffff;
	[tilespmem:s12+$0x0] =	vst v47  }
0xbb: {  	v5 =	vadd.s32 $0x8200, v24;
	v6 =	vadd.s32 $0x8200, v51;
	v46 =	vadd.s32 $0x8280, v51;
	[tilespmem:s19+$0x0] =	vst v19  }
0xbc: {  	v33 =	vadd.s32 $0x8300, v51;
	v55 =	vor.u32 $0x100, v52;
	v63 =	vadd.s32 $0x8100, v52;
	v7 =	vld.idx.msk [tilespmem:v32+s9+$0x0], $0xffff;
	[tilespmem:s1+$0x80] =	vst v57  }
0xbd: {  	s24 =	sor.u32 $0x19180, s2;
	v29 =	vor.u32 $0x380, v51;
	v27 =	vadd.s32 $0x8000, v24;
	v21 =	vadd.s32 $0x8080, v51;
	v57 =	vld.idx.msk [tilespmem:v59+s9+$0x0], $0xffff;
	[tilespmem:s7+$0x80] =	vst v61  }
0xbe: {  	v58 =	vadd.s32 $0x8100, v24;
	v26 =	vadd.s32 $0x8000, v51;
	v23 =	vadd.s32 $0x8100, v51;
	[tilespmem:s11+$0x0] =	vst v56;
	s19 =	sor.u32 s4, s24;
	v53 =	vld.idx.msk [tilespmem:v53+s9+$0x0], $0xffff  }
0xbf: {  	v41 =	vadd.s32 $0x8300, v24;
	v62 =	vadd.s32 $0x8180, v24;
	v47 =	vadd.s32 $0x8280, v24;
	[tilespmem:s19+$0x0] =	vst v60;
	v56 =	vld.idx.msk [tilespmem:v25+s9+$0x0], $0xffff;
	v25 =	vmovc v23  }
0xc0: {  	[tilespmem:$0x1FFF0] =	vst v25;
	v25 =	vadd.s32 $0x8380, v24;
	v24 =	vadd.s32 $0x8380, v51;
	v51 =	vld.idx.msk [tilespmem:v20+s9+$0x0], $0xffff;
	v20 =	vmovc v63;
	v63 =	vor.u32 $0x180, v34  }
0xc1: {  	v49 =	vor.u32 $0x180, v52;
	v4 =	vld.idx.msk [tilespmem:v4+s9+$0x0], $0xffff;
	[tilespmem:s0+$0x80] =	vst v0  }
0xc2: {  	v42 =	vor.u32 $0x200, v52;
	v40 =	vor.u32 $0x280, v52;
	v61 =	vld.idx.msk [tilespmem:v16+s9+$0x0], $0xffff;
	[tilespmem:s12+$0x80] =	vst v7;
	v7 =	vadd.s32 $0x8280, v1  }
0xc3: {  	v37 =	vor.u32 $0x300, v52;
	v31 =	vor.u32 $0x380, v52;
	v3 =	vadd.s32 $0x8180, v52;
	v0 =	vld.idx.msk [tilespmem:v54+s9+$0x0], $0xffff;
	[tilespmem:s1+$0x100] =	vst v57  }
0xc4: {  	v8 =	vadd.s32 $0x8200, v52;
	s15 =	sor.u32 s10, s18;
	s22 =	sor.u32 $0x19200, s2;
	v18 =	vadd.s32 $0x8080, v52;
	v28 =	vadd.s32 $0x8000, v52;
	v60 =	vld.idx.msk [tilespmem:v55+s9+$0x0], $0xffff;
	[tilespmem:s7+$0x100] =	vst v53  }
0xc5: {  	v45 =	vadd.s32 $0x8280, v52;
	v32 =	vadd.s32 $0x8300, v52;
	s19 =	sor.u32 s4, s22;
	v23 =	vadd.s32 $0x8380, v52;
	[tilespmem:s15+$0x0] =	vst v56;
	v52 =	vld.idx.msk [tilespmem:v63+s9+$0x0], $0xffff  }
0xc6: {  	s13 =	sor.u32 s8, s18;
	v63 =	vld.idx.msk [tilespmem:v22+s9+$0x0], $0xffff;
	[tilespmem:s19+$0x0] =	vst v4  }
0xc7: {  	[tilespmem:s13+$0x0] =	vst v51;
	v4 =	vld.idx.msk [tilespmem:v7+s9+$0x0], $0xffff  }
0xc8: {  	v57 =	vmov v2;
	v2 =	vor.u32 $0x200, v34;
	[tilespmem:s0+$0x100] =	vst v0;
	v7 =	vld.idx.msk [tilespmem:v48+s9+$0x0], $0xffff  }
0xc9: {  	s16 =	sor.u32 s6, s24;
	v0 =	vld.idx.msk [tilespmem:v50+s9+$0x0], $0xffff;
	[tilespmem:s12+$0x100] =	vst v60;
	v60 =	vadd.s32 $0x8300, v1  }
0xca: {  	[tilespmem:s16+$0x0] =	vst v61;
	v49 =	vld.idx.msk [tilespmem:v49+s9+$0x0], $0xffff  }
0xcb: {  	s18 =	sor.u32 s10, s24;
	s16 =	sor.u32 $0x19280, s2;
	v61 =	vld.idx.msk [tilespmem:v17+s9+$0x0], $0xffff;
	[tilespmem:s1+$0x180] =	vst v52  }
0xcc: {  	v17 =	vmov v3;
	v3 =	vld.idx.msk [tilespmem:v13+s9+$0x0], $0xffff;
	[tilespmem:s18+$0x0] =	vst v63;
	s18 =	sor.u32 s4, s16  }
0xcd: {  	s14 =	sadd.s32 $0x4, s14;
	v2 =	vld.idx.msk [tilespmem:v2+s9+$0x0], $0xffff;
	[tilespmem:s18+$0x0] =	vst v4  }
0xce: {  	s19 =	sand.u32 $0x7, s14;
	v51 =	vmov v5;
	[tilespmem:s7+$0x180] =	vst v7;
	v5 =	vld.idx.msk [tilespmem:v60+s9+$0x0], $0xffff  }
0xcf: {  	s11 =	sor.u32 s8, s24;
	s18 =	sshll.u32 s19, $0x4;
	[tilespmem:s0+$0x180] =	vst v0;
	v7 =	vld.idx.msk [tilespmem:v44+s9+$0x0], $0xffff  }
0xd0: {  	s15 =	sor.u32 s6, s16;
	s13 =	sor.u32 s8, s16;
	v4 =	vor.u32 $0x280, v34;
	s19 =	sadd.s32 s31, s18;
	v0 =	vld.idx.msk [tilespmem:v43+s9+$0x0], $0xffff  }
0xd1: {  	s1 =	sor.u32 s10, s16;
	[tilespmem:s12+$0x180] =	vst v49;
	v43 =	vld [tilespmem:$0x1FF80];
	s0 =	sadd.s32 $0x10, s19;
	s16 =	sadd.s32 $0x30, s19  }
0xd2: {  	s24 =	sor.u32 s6, s22;
	v63 =	vld.idx.msk [tilespmem:v42+s9+$0x0], $0xffff;
	[tilespmem:s11+$0x0] =	vst v61;
	s19 =	sor.u32 $0x200, s0;
	s7 =	sor.u32 $0x200, s16  }
0xd3: {  	s18 =	sor.u32 $0x280, s0;
	s11 =	sor.u32 $0x300, s0;
	s0 =	sor.u32 $0x19300, s2;
	[tilespmem:s7+$0x18000] =	vst v2;
	v2 =	vld.idx.msk [tilespmem:v14+s9+$0x0], $0xffff  }
0xd4: {  	v56 =	vmovc v62;
	v62 =	vadd.s32 $0x8380, v1;
	v44 =	vmov v10;
	[tilespmem:s24+$0x0] =	vst v3;
	v10 =	vmov v46;
	v46 =	vld [tilespmem:$0x1FFC0];
	s24 =	sor.u32 s4, s0  }
0xd5: {  	v4 =	vld.idx.msk [tilespmem:v4+s9+$0x0], $0xffff;
	[tilespmem:s24+$0x0] =	vst v5  }
0xd6: {  	v3 =	vld.idx.msk [tilespmem:v9+s9+$0x0], $0xffff;
	s24 =	rddreg [dreg:$0x10];
	[tilespmem:s19+$0x18000] =	vst v0  }
0xd7: {  	s23 =	sor.u32 s10, s22;
	[tilespmem:s24+$0x18000] =	vst v7;
	v0 =	vld.idx.msk [tilespmem:v38+s9+$0x0], $0xffff  }
0xd8: {  	s24 =	rddreg [dreg:$0xf];
	[tilespmem:s23+$0x0] =	vst v2;
	v2 =	vld [tilespmem:$0x1FF90]  }
0xd9: {  	v1 =	vmov v34;
	v13 =	vmov v6;
	v6 =	vld.idx.msk [tilespmem:v62+s9+$0x0], $0xffff;
	[tilespmem:s24+$0x18000] =	vst v63  }
0xda: {  	s22 =	sor.u32 s8, s22;
	v14 =	vmov v8;
	v5 =	vor.u32 $0x300, v1;
	v8 =	vld.idx.msk [tilespmem:v40+s9+$0x0], $0xffff  }
0xdb: {  	[tilespmem:s22+$0x0] =	vst v3;
	v3 =	vld [tilespmem:$0x1FFA0]  }
0xdc: {  	v7 =	vld.idx.msk [tilespmem:v39+s9+$0x0], $0xffff  }
0xdd: {  	s24 =	sor.u32 $0x280, s16;
	v39 =	vld.idx.msk [tilespmem:v12+s9+$0x0], $0xffff  }
0xde: {  	s19 =	sor.u32 $0x19380, s2;
	v12 =	vmov v45;
	v45 =	vld [tilespmem:$0x1FFD0];
	[tilespmem:s24+$0x18000] =	vst v4  }
0xdf: {  	s7 =	sor.u32 s10, s0;
	s23 =	sor.u32 s10, s19;
	s10 =	sor.u32 s4, s19;
	v4 =	vld.idx.msk [tilespmem:v5+s9+$0x0], $0xffff  }
0xe0: {  	s17 =	sadd.s32 $0x4, s17;
	s4 =	smov.u32 s26;
	s26 =	rddreg [dreg:$0xa];
	[tilespmem:s10+$0x0] =	vst v6;
	v2 =	vld.idx.msk [tilespmem:v2+s9+$0x0], $0xffff  }
0xe1: {  	s20 =	sadd.s32 $0x2, s20;
	p2 =	slt.u32 s17, $0x1C;
	p1 =	por !p1, !p1;
	v6 =	vld [tilespmem:$0x1FFB0];
	[tilespmem:s26+$0x18000] =	vst v8  }
.Ltmp0:
0xe2: {  	s29 =	smov.u32 s31;
	s12 =	sor.u32 s6, s0;
	v37 =	vld.idx.msk [tilespmem:v37+s9+$0x0], $0xffff;
	(pc) =	sbr.rel @p2 .LBB2_3-.Ltmp0, $4  }
0xe3: {  	s2 =	smov.u32 s25;
	s25 =	rddreg [dreg:$0xc];
	s22 =	sor.u32 s8, s19;
	v38 =	vld.idx.msk [tilespmem:v3+s9+$0x0], $0xffff;
	[tilespmem:s18+$0x18000] =	vst v0  }
0xe4: {  	s24 =	sor.u32 s6, s19;
	s19 =	rddreg [dreg:$0xe];
	s6 =	smov.u32 s30;
	[tilespmem:s25+$0x18000] =	vst v7;
	v35 =	vld.idx.msk [tilespmem:v35+s9+$0x0], $0xffff  }
0xe5: {  	s30 =	rddreg [dreg:$0x9];
	s10 =	smov.u32 s28;
	s28 =	sor.u32 $0x300, s16;
	v36 =	vld.idx.msk [tilespmem:v36+s9+$0x0], $0xffff;
	[tilespmem:s15+$0x0] =	vst v2  }
0xe6: {  	v9 =	vmov v47;
	s0 =	sor.u32 s8, s0;
	v40 =	vor.u32 $0x380, v1;
	s8 =	smov.u32 s5;
	s18 =	rddreg [dreg:$0xb];
	[tilespmem:s28+$0x18000] =	vst v4;
	v34 =	vld.idx.msk [tilespmem:v11+s9+$0x0], $0xffff;
	v11 =	vmov v41  }
0xe7: {  	_ =	sdelay $0x3  }
0xe8: {  	v0 =	vld.idx.msk [tilespmem:v40+s9+$0x0], $0xffff;
	[tilespmem:s11+$0x18000] =	vst v35  }
0xe9: {  	[tilespmem:s21+$0x18000] =	vst v36;
	v4 =	vld.idx.msk [tilespmem:v29+s9+$0x0], $0xffff  }
0xea: {  	v2 =	vadd.s32 $0x8000, v1;
	v3 =	vld.idx.msk [tilespmem:v30+s9+$0x0], $0xffff  }
0xeb: {  	[tilespmem:s18+$0x18000] =	vst v37;
	s3 =	sor.u32 s30, s29  }
0xec: {  	v5 =	vld.idx.msk [tilespmem:v31+s9+$0x0], $0xffff;
	s3 =	sor.u32 $0x380, s3  }
0xed: {  	[tilespmem:s3+$0x18000] =	vst v0  }
0xee: {  	s3 =	rddreg [dreg:$0x8];
	[tilespmem:s19+$0x18000] =	vst v4  }
0xef: {  	v0 =	vld.idx.msk [tilespmem:v2+s9+$0x0], $0xffff;
	[tilespmem:s3+$0x18000] =	vst v3  }
0xf0: {  	v2 =	vadd.s32 $0x8080, v1;
	v4 =	vld.idx.msk [tilespmem:v26+s9+$0x0], $0xffff;
	s3 =	rddreg [dreg:$0x7]  }
0xf1: {  	v3 =	vld.idx.msk [tilespmem:v27+s9+$0x0], $0xffff;
	[tilespmem:s3+$0x18000] =	vst v5  }
0xf2: {  	s16 =	sor.u32 $0x19000, s2;
	v5 =	vld.idx.msk [tilespmem:v28+s9+$0x0], $0xffff  }
0xf3: {  	s5 =	sor.u32 s4, s16  }
0xf4: {  	s18 =	sor.u32 s10, s16;
	[tilespmem:s5+$0x0] =	vst v0  }
0xf5: {  	s17 =	sor.u32 s6, s16;
	v0 =	vld.idx.msk [tilespmem:v2+s9+$0x0], $0xffff;
	[tilespmem:s18+$0x0] =	vst v4  }
0xf6: {  	s3 =	sor.u32 s8, s16;
	[tilespmem:s17+$0x0] =	vst v3;
	v4 =	vld.idx.msk [tilespmem:v21+s9+$0x0], $0xffff  }
0xf7: {  	v3 =	vld.idx.msk [tilespmem:v15+s9+$0x0], $0xffff;
	[tilespmem:s3+$0x0] =	vst v5  }
0xf8: {  	s19 =	sor.u32 $0x19080, s2;
	v5 =	vld.idx.msk [tilespmem:v18+s9+$0x0], $0xffff  }
0xf9: {  	s20 =	sor.u32 s4, s19  }
0xfa: {  	s25 =	sor.u32 s10, s19;
	[tilespmem:s20+$0x0] =	vst v0  }
0xfb: {  	s21 =	sor.u32 s6, s19;
	[tilespmem:s25+$0x0] =	vst v4  }
0xfc: {  	s3 =	sor.u32 s8, s19;
	[tilespmem:s21+$0x0] =	vst v3  }
0xfd: {  	v2 =	vadd.s32 $0x8100, v1;
	[tilespmem:s3+$0x0] =	vst v5  }
0xfe: {  	v4 =	vld [tilespmem:$0x1FFF0];
	_ =	sdelay $0x3  }
0xff: {  	v0 =	vld.idx.msk [tilespmem:v2+s9+$0x0], $0xffff  }
0x100: {  	v2 =	vadd.s32 $0x8180, v1;
	v3 =	vld.idx.msk [tilespmem:v58+s9+$0x0], $0xffff;
	_ =	sdelay $0x1  }
0x101: {  	s26 =	sor.u32 $0x19100, s2;
	v5 =	vld.idx.msk [tilespmem:v20+s9+$0x0], $0xffff  }
0x102: {  	s14 =	sor.u32 s4, s26;
	v4 =	vld.idx.msk [tilespmem:v4+s9+$0x0], $0xffff  }
0x103: {  	s15 =	sor.u32 s6, s26;
	[tilespmem:s14+$0x0] =	vst v0  }
0x104: {  	v0 =	vld.idx.msk [tilespmem:v2+s9+$0x0], $0xffff;
	[tilespmem:s15+$0x0] =	vst v3  }
0x105: {  	s3 =	sor.u32 s8, s26;
	[tilespmem:s1+$0x0] =	vst v38;
	v2 =	vadd.s32 $0x8200, v1;
	v3 =	vld.idx.msk [tilespmem:v56+s9+$0x0], $0xffff  }
0x106: {  	s16 =	sor.u32 s10, s26;
	[tilespmem:s3+$0x0] =	vst v5  }
0x107: {  	s17 =	sor.u32 $0x19180, s2;
	v5 =	vld.idx.msk [tilespmem:v17+s9+$0x0], $0xffff;
	[tilespmem:s16+$0x0] =	vst v4  }
0x108: {  	s18 =	sor.u32 s4, s17;
	[tilespmem:s13+$0x0] =	vst v39;
	v4 =	vld.idx.msk [tilespmem:v57+s9+$0x0], $0xffff  }
0x109: {  	s19 =	sor.u32 s6, s17;
	v6 =	vld.idx.msk [tilespmem:v6+s9+$0x0], $0xffff;
	[tilespmem:s18+$0x0] =	vst v0  }
0x10a: {  	v0 =	vld.idx.msk [tilespmem:v2+s9+$0x0], $0xffff;
	[tilespmem:s19+$0x0] =	vst v3  }
0x10b: {  	[tilespmem:s12+$0x0] =	vst v34;
	s3 =	sor.u32 s8, s17;
	v2 =	vadd.s32 $0x8280, v1;
	v3 =	vld.idx.msk [tilespmem:v51+s9+$0x0], $0xffff  }
0x10c: {  	s20 =	sor.u32 s10, s17;
	v7 =	vld.idx.msk [tilespmem:v46+s9+$0x0], $0xffff;
	[tilespmem:s3+$0x0] =	vst v5  }
0x10d: {  	s21 =	sor.u32 $0x19200, s2;
	v5 =	vld.idx.msk [tilespmem:v14+s9+$0x0], $0xffff;
	[tilespmem:s20+$0x0] =	vst v4  }
0x10e: {  	s25 =	sor.u32 s4, s21;
	[tilespmem:s7+$0x0] =	vst v6;
	v4 =	vld.idx.msk [tilespmem:v13+s9+$0x0], $0xffff  }
0x10f: {  	s26 =	sor.u32 s6, s21;
	v6 =	vld.idx.msk [tilespmem:v45+s9+$0x0], $0xffff;
	[tilespmem:s25+$0x0] =	vst v0  }
0x110: {  	v0 =	vld.idx.msk [tilespmem:v2+s9+$0x0], $0xffff;
	[tilespmem:s26+$0x0] =	vst v3  }
0x111: {  	s1 =	sor.u32 s8, s21;
	[tilespmem:s0+$0x0] =	vst v7;
	v2 =	vadd.s32 $0x8300, v1;
	v3 =	vld.idx.msk [tilespmem:v9+s9+$0x0], $0xffff  }
0x112: {  	s11 =	sor.u32 s10, s21;
	[tilespmem:s1+$0x0] =	vst v5  }
0x113: {  	s13 =	sor.u32 $0x19280, s2;
	v5 =	vld.idx.msk [tilespmem:v12+s9+$0x0], $0xffff;
	[tilespmem:s11+$0x0] =	vst v4  }
0x114: {  	s14 =	sor.u32 s4, s13;
	[tilespmem:s24+$0x0] =	vst v6;
	v4 =	vld.idx.msk [tilespmem:v10+s9+$0x0], $0xffff  }
0x115: {  	s15 =	sor.u32 s6, s13;
	v6 =	vld.idx.msk [tilespmem:v43+s9+$0x0], $0xffff;
	[tilespmem:s14+$0x0] =	vst v0  }
0x116: {  	v0 =	vld.idx.msk [tilespmem:v2+s9+$0x0], $0xffff;
	[tilespmem:s15+$0x0] =	vst v3  }
0x117: {  	s1 =	sor.u32 s8, s13;
	v2 =	vld.idx.msk [tilespmem:v11+s9+$0x0], $0xffff  }
0x118: {  	s16 =	sor.u32 s10, s13;
	[tilespmem:s1+$0x0] =	vst v5;
	v5 =	vld.idx.msk [tilespmem:v44+s9+$0x0], $0xffff  }
0x119: {  	s17 =	sor.u32 $0x19300, s2;
	v1 =	vadd.s32 $0x8380, v1;
	[tilespmem:s16+$0x0] =	vst v4;
	v4 =	vld.idx.msk [tilespmem:v32+s9+$0x0], $0xffff  }
0x11a: {  	s18 =	sor.u32 s4, s17;
	[tilespmem:s22+$0x0] =	vst v6;
	v3 =	vld.idx.msk [tilespmem:v33+s9+$0x0], $0xffff  }
0x11b: {  	s19 =	sor.u32 s6, s17;
	[tilespmem:s18+$0x0] =	vst v0  }
0x11c: {  	[tilespmem:s19+$0x0] =	vst v2  }
0x11d: {  	s0 =	sor.u32 s8, s17;
	[tilespmem:s23+$0x0] =	vst v5  }
0x11e: {  	s20 =	sor.u32 s10, s17;
	v0 =	vld.idx.msk [tilespmem:v1+s9+$0x0], $0xffff;
	[tilespmem:s0+$0x0] =	vst v4  }
0x11f: {  	v1 =	vld.idx.msk [tilespmem:v25+s9+$0x0], $0xffff;
	[tilespmem:s20+$0x0] =	vst v3  }
0x120: {  	v3 =	vld.idx.msk [tilespmem:v23+s9+$0x0], $0xffff;
	s24 =	rddreg [dreg:$0x17]  }
0x121: {  	s21 =	sor.u32 $0x19380, s2;
	v2 =	vld.idx.msk [tilespmem:v24+s9+$0x0], $0xffff;
	s25 =	rddreg [dreg:$0x1c]  }
0x122: {  	s7 =	rddreg [dreg:$0x2];
	s23 =	sor.u32 s4, s21;
	s2 =	sadd.s32 s24, s25  }
0x123: {  	s26 =	sor.u32 s6, s21;
	[tilespmem:s23+$0x0] =	vst v0;
	s5 =	sshll.u32 s25, $0x4;
	s2 =	sshll.u32 s2, $0x7  }
0x124: {  	s0 =	sor.u32 s8, s21;
	[tilespmem:s26+$0x0] =	vst v1;
	s1 =	sand.u32 $0x1FC00, s2;
	s2 =	sand.u32 $0x70, s5  }
0x125: {  	s6 =	sor.u32 s10, s21;
	s10 =	simm.s32 $0x100000;
	s1 =	sor.u32 s2, s1;
	[tilespmem:s0+$0x0] =	vst v3  }
0x126: {  	s11 =	simm.s32 $0x18000;
	s8 =	simm.s32 $0x80;
	[tilespmem:s6+$0x0] =	vst v2;
	s0 =	sadd.s32 s7, s1  }
0x127: {  	[hbm4b:s0+s8] =	stream.strided.scatter [tilespmem:s11], [sflag:$0x1], $0x400, s10, s8, $0x38;
	[tilespmem:$0x1C000] =	vst v63  }
0x128: {  	s13 =	simm.s32 $0x18400;
	s12 =	sadd.s32 $0x80, s0  }
0x129: {  	[hbm4b:s12+s8] =	stream.strided.scatter [tilespmem:s13], [sflag:$0x1], $0x400, s10, s8, $0x38;
	[tilespmem:$0x1C000] =	vst v63  }
0x12a: {  	s15 =	simm.s32 $0x18800;
	s14 =	sadd.s32 $0x100, s0  }
0x12b: {  	[hbm4b:s14+s8] =	stream.strided.scatter [tilespmem:s15], [sflag:$0x1], $0x400, s10, s8, $0x38;
	[tilespmem:$0x1C000] =	vst v63  }
0x12c: {  	s17 =	simm.s32 $0x18C00;
	s16 =	sadd.s32 $0x180, s0  }
0x12d: {  	[hbm4b:s16+s8] =	stream.strided.scatter [tilespmem:s17], [sflag:$0x1], $0x400, s10, s8, $0x38;
	[tilespmem:$0x1C000] =	vst v63  }
0x12e: {  	s18 =	simm.s32 $0x19000;
	s0 =	sadd.s32 $0x100000, s0  }
0x12f: {  	[hbm4b:s0+s8] =	stream.strided.scatter [tilespmem:s18], [sflag:$0x1], $0x400, s10, s8, $0x38;
	[tilespmem:$0x1C000] =	vst v63  }
0x130: {  	s20 =	simm.s32 $0x19400;
	s19 =	sadd.s32 $0x80, s0  }
0x131: {  	[hbm4b:s19+s8] =	stream.strided.scatter [tilespmem:s20], [sflag:$0x1], $0x400, s10, s8, $0x38;
	[tilespmem:$0x1C000] =	vst v63  }
0x132: {  	s22 =	simm.s32 $0x19800;
	s21 =	sadd.s32 $0x100, s0  }
0x133: {  	[hbm4b:s21+s8] =	stream.strided.scatter [tilespmem:s22], [sflag:$0x1], $0x400, s10, s8, $0x38;
	[tilespmem:$0x1C000] =	vst v63  }
0x134: {  	s23 =	simm.s32 $0x19C00;
	s0 =	sadd.s32 $0x180, s0  }
0x135: {  	[hbm4b:s0+s8] =	stream.strided.scatter [tilespmem:s23], [sflag:$0x1], $0x400, s10, s8, $0x38;
	[tilespmem:$0x1C000] =	vst v63  }
0x136: {  	[dreg:$0x1d] =	wrdreg s1;
	s0 =	simm.s32 @!p0 $0x2  }
0x137: {  	_ =	swait.ge @!p0 [sflag:s0], $0x2000  }
0x138: {  	v19 =	vld [tilespmem:$0x1FFE0];
	_ =	sdelay $0x3  }
0x139: {  	s24 =	simm.s32 $0x1180  }
0x13a: {  	s25 =	simm.s32 $0x230;
	s1 =	sand.u32 $0x1C00, s24;
	s10 =	rddreg [dreg:$0x4]  }
0x13b: {  	s2 =	sand.u32 $0x70, s25;
	[sflag:s0] =	ssyncset.done @!p0 $0x0;
	s1 =	sadd.s32 s1, s10  }
0x13c: {  	s26 =	simm.s32 $0x1080;
	[sflag:s0] =	ssyncadd.s32 @!p0 $0xFFFFE000;
	s1 =	sadd.s32 s2, s1  }
0x13d: {  	s3 =	simm.s32 $0x210;
	s0 =	sand.u32 $0x1C00, s26;
	v0 =	vld.idx.msk [tilespmem:v19+s1+$0x0 ss:$0x1], $0xffff  }
0x13e: {  	s4 =	sand.u32 $0x50, s3;
	s0 =	sadd.s32 s0, s10  }
0x13f: {  	s0 =	sadd.s32 s4, s0  }
0x140: {  	s5 =	simm.s32 $0x1100;
	v1 =	vld.idx.msk [tilespmem:v19+s0+$0x0 ss:$0x1], $0xffff  }
0x141: {  	s6 =	sand.u32 $0x1C00, s5;
	s7 =	simm.s32 $0x220  }
0x142: {  	s0 =	sadd.s32 s6, s10;
	s1 =	sand.u32 $0x60, s7;
	v2 =	vshll.u32 v0, $0x3  }
0x143: {  	s0 =	sadd.s32 s1, s0;
	v0 =	vand.u32 $0x7F, v0;
	v2 =	vand.u32 $0xFFFFFC00, v2  }
0x144: {  	v3 =	vld.idx.msk [tilespmem:v19+s0+$0x0 ss:$0x1], $0xffff;
	v4 =	vor.u32 v0, v2  }
0x145: {  	v0 =	vshll.u32 v1, $0x3  }
0x146: {  	v1 =	vand.u32 $0x7F, v1;
	v0 =	vand.u32 $0xFFFFFC00, v0  }
0x147: {  	v2 =	vor.u32 v1, v0;
	_ =	sdelay $0x1  }
0x148: {  	v0 =	vshll.u32 v3, $0x3;
	v1 =	vld.idx.msk [tilespmem:v4+s9+$0x0], $0xffff  }
0x149: {  	s0 =	simm.s32 $0x0;
	v5 =	vor.u32 $0x80, v4;
	v3 =	vand.u32 $0x7F, v3;
	v0 =	vand.u32 $0xFFFFFC00, v0  }
0x14a: {  	s15 =	sand.u32 $0x40, s0;
	s18 =	sand.u32 $0xC00, s0;
	v3 =	vor.u32 v3, v0  }
0x14b: {  	s8 =	sadd.s32 s18, s10;
	s11 =	sor.u32 $0x1A000, s18;
	s14 =	sor.u32 $0x30, s15;
	v0 =	vld.idx.msk [tilespmem:v2+s9+$0x0], $0xffff  }
0x14c: {  	s1 =	sadd.s32 s15, s8;
	s12 =	sor.u32 s14, s11;
	v6 =	vor.u32 $0x80, v2  }
0x14d: {  	v7 =	vld.idx.msk [tilespmem:v19+s1+$0x1000 ss:$0x1], $0xffff;
	[tilespmem:s12+$0x0] =	vst v1  }
0x14e: {  	s16 =	sor.u32 $0x10, s15;
	v1 =	vld.idx.msk [tilespmem:v5+s9+$0x0], $0xffff  }
0x14f: {  	s13 =	sor.u32 s16, s11;
	v9 =	vor.u32 $0x100, v4;
	v5 =	vld.idx.msk [tilespmem:v3+s9+$0x0], $0xffff  }
0x150: {  	v10 =	vor.u32 $0x80, v3;
	[tilespmem:s13+$0x0] =	vst v0  }
0x151: {  	v0 =	vld.idx.msk [tilespmem:v6+s9+$0x0], $0xffff  }
0x152: {  	s17 =	sor.u32 $0x20, s15;
	v8 =	vshll.u32 v7, $0x3;
	v6 =	vor.u32 $0x100, v2  }
0x153: {  	s19 =	sor.u32 s17, s11;
	v7 =	vand.u32 $0x7F, v7;
	v8 =	vand.u32 $0xFFFFFC00, v8;
	[tilespmem:s12+$0x80] =	vst v1  }
0x154: {  	v8 =	vor.u32 v7, v8;
	[tilespmem:s19+$0x0] =	vst v5;
	v1 =	vld.idx.msk [tilespmem:v9+s9+$0x0], $0xffff  }
0x155: {  	v7 =	vor.u32 $0x180, v4;
	v5 =	vld.idx.msk [tilespmem:v10+s9+$0x0], $0xffff  }
0x156: {  	v9 =	vor.u32 $0x100, v3;
	[tilespmem:s13+$0x80] =	vst v0  }
0x157: {  	v0 =	vld.idx.msk [tilespmem:v6+s9+$0x0], $0xffff  }
0x158: {  	v6 =	vor.u32 $0x180, v2  }
0x159: {  	v10 =	vld.idx.msk [tilespmem:v8+s9+$0x0], $0xffff;
	[tilespmem:s12+$0x100] =	vst v1  }
0x15a: {  	v1 =	vor.u32 $0x80, v8;
	[tilespmem:s19+$0x80] =	vst v5;
	v5 =	vld.idx.msk [tilespmem:v7+s9+$0x0], $0xffff  }
0x15b: {  	v7 =	vld.idx.msk [tilespmem:v9+s9+$0x0], $0xffff;
	v9 =	vor.u32 $0x200, v4  }
0x15c: {  	[tilespmem:s13+$0x100] =	vst v0  }
0x15d: {  	s2 =	sor.u32 s15, s11;
	v11 =	vor.u32 $0x180, v3;
	v0 =	vld.idx.msk [tilespmem:v6+s9+$0x0], $0xffff  }
0x15e: {  	[tilespmem:s2+$0x0] =	vst v10;
	v6 =	vor.u32 $0x200, v2  }
0x15f: {  	p0 =	por $0x0, $0x0;
	s1 =	simm.s32 $0x1;
	v1 =	vld.idx.msk [tilespmem:v1+s9+$0x0], $0xffff;
	[tilespmem:s12+$0x180] =	vst v5  }
0x160: {  	s1 =	simm.s32 @!p0 $0x0;
	v5 =	vor.u32 $0x100, v8;
	[tilespmem:s19+$0x100] =	vst v7;
	v7 =	vld.idx.msk [tilespmem:v9+s9+$0x0], $0xffff  }
0x161: {  	s1 =	sshll.u32 s1, $0x6;
	v10 =	vor.u32 $0x280, v4  }
0x162: {  	s1 =	sadd.s32 $0x0, s1;
	v9 =	vld.idx.msk [tilespmem:v11+s9+$0x0], $0xffff;
	[tilespmem:s13+$0x180] =	vst v0  }
0x163: {  	s6 =	sadd.s32 $0x30, s1;
	v11 =	vor.u32 $0x200, v3;
	v0 =	vld.idx.msk [tilespmem:v6+s9+$0x0], $0xffff  }
0x164: {  	s20 =	sor.u32 $0x200, s6;
	v6 =	vor.u32 $0x280, v2;
	[tilespmem:s2+$0x80] =	vst v1  }
0x165: {  	v1 =	vld.idx.msk [tilespmem:v5+s9+$0x0], $0xffff;
	[tilespmem:s20+$0x1A000] =	vst v7  }
0x166: {  	s3 =	sadd.s32 $0x10, s1;
	v5 =	vor.u32 $0x180, v8;
	v7 =	vld.idx.msk [tilespmem:v10+s9+$0x0], $0xffff  }
0x167: {  	s21 =	sor.u32 $0x200, s3;
	[tilespmem:s19+$0x180] =	vst v9;
	v10 =	vor.u32 $0x300, v4  }
0x168: {  	v9 =	vld.idx.msk [tilespmem:v11+s9+$0x0], $0xffff;
	[tilespmem:s21+$0x1A000] =	vst v0  }
0x169: {  	v11 =	vor.u32 $0x280, v3;
	v0 =	vld.idx.msk [tilespmem:v6+s9+$0x0], $0xffff  }
0x16a: {  	s22 =	sor.u32 $0x280, s6;
	v6 =	vor.u32 $0x300, v2;
	[tilespmem:s2+$0x100] =	vst v1  }
0x16b: {  	s4 =	sadd.s32 $0x20, s1;
	v1 =	vld.idx.msk [tilespmem:v5+s9+$0x0], $0xffff;
	[tilespmem:s22+$0x1A000] =	vst v7  }
0x16c: {  	s23 =	sor.u32 $0x200, s4;
	v5 =	vor.u32 $0x200, v8;
	v7 =	vld.idx.msk [tilespmem:v10+s9+$0x0], $0xffff  }
0x16d: {  	s24 =	sor.u32 $0x280, s3;
	[tilespmem:s23+$0x1A000] =	vst v9;
	v10 =	vor.u32 $0x380, v4  }
0x16e: {  	v9 =	vld.idx.msk [tilespmem:v11+s9+$0x0], $0xffff;
	[tilespmem:s24+$0x1A000] =	vst v0  }
0x16f: {  	v11 =	vor.u32 $0x300, v3;
	v0 =	vld.idx.msk [tilespmem:v6+s9+$0x0], $0xffff  }
0x170: {  	s25 =	sor.u32 $0x300, s6;
	v6 =	vor.u32 $0x380, v2;
	[tilespmem:s2+$0x180] =	vst v1  }
0x171: {  	v1 =	vld.idx.msk [tilespmem:v5+s9+$0x0], $0xffff;
	[tilespmem:s25+$0x1A000] =	vst v7  }
0x172: {  	s5 =	simm.s32 $0x1380;
	s26 =	sor.u32 $0x280, s4;
	v5 =	vor.u32 $0x280, v8;
	v7 =	vld.idx.msk [tilespmem:v10+s9+$0x0], $0xffff  }
0x173: {  	s8 =	simm.s32 $0x270;
	s7 =	sor.u32 $0x300, s3;
	s2 =	sand.u32 $0x1C00, s5;
	[tilespmem:s26+$0x1A000] =	vst v9;
	v10 =	vadd.s32 $0x8000, v4  }
0x174: {  	s11 =	sand.u32 $0x70, s8;
	s2 =	sadd.s32 s2, s10;
	v9 =	vld.idx.msk [tilespmem:v11+s9+$0x0], $0xffff;
	[tilespmem:s7+$0x1A000] =	vst v0  }
0x175: {  	s12 =	sor.u32 $0x200, s1;
	s19 =	simm.s32 $0x1280;
	s2 =	sadd.s32 s11, s2;
	v11 =	vor.u32 $0x380, v3;
	v0 =	vld.idx.msk [tilespmem:v6+s9+$0x0], $0xffff  }
0x176: {  	s6 =	sor.u32 $0x380, s6;
	s21 =	simm.s32 $0x250;
	s5 =	sand.u32 $0x1C00, s19;
	[tilespmem:s12+$0x1A000] =	vst v1;
	v1 =	vld.idx.msk [tilespmem:v19+s2+$0x0 ss:$0x1], $0xffff  }
0x177: {  	s5 =	sadd.s32 s5, s10;
	s2 =	sand.u32 $0x50, s21;
	v5 =	vld.idx.msk [tilespmem:v5+s9+$0x0], $0xffff;
	[tilespmem:s6+$0x1A000] =	vst v7  }
0x178: {  	s13 =	sor.u32 $0x300, s4;
	s20 =	simm.s32 $0x1300;
	v6 =	vor.u32 $0x300, v8;
	s2 =	sadd.s32 s2, s5;
	v7 =	vld.idx.msk [tilespmem:v10+s9+$0x0], $0xffff  }
0x179: {  	s22 =	simm.s32 $0x260;
	s7 =	sand.u32 $0x1C00, s20;
	[tilespmem:s13+$0x1A000] =	vst v9;
	v12 =	vld.idx.msk [tilespmem:v19+s2+$0x0 ss:$0x1], $0xffff;
	v10 =	vadd.s32 $0x8080, v4  }
0x17a: {  	s7 =	sadd.s32 s7, s10;
	s6 =	sand.u32 $0x60, s22;
	v9 =	vld.idx.msk [tilespmem:v11+s9+$0x0], $0xffff;
	v11 =	vadd.s32 $0x8000, v2  }
0x17b: {  	s24 =	sor.u32 $0x280, s1;
	s25 =	sor.u32 $0x1B000, s18;
	s23 =	sadd.s32 s6, s7;
	v14 =	vshll.u32 v1, $0x3  }
0x17c: {  	v15 =	vadd.s32 $0x8000, v3;
	s26 =	sor.u32 s14, s25;
	v13 =	vld.idx.msk [tilespmem:v19+s23+$0x0 ss:$0x1], $0xffff;
	v1 =	vand.u32 $0x7F, v1;
	[tilespmem:s24+$0x1A000] =	vst v5;
	v5 =	vand.u32 $0xFFFFFC00, v14  }
0x17d: {  	s3 =	sor.u32 $0x380, s3;
	v6 =	vld.idx.msk [tilespmem:v6+s9+$0x0], $0xffff;
	v1 =	vor.u32 v1, v5;
	[tilespmem:s26+$0x0] =	vst v7  }
0x17e: {  	[tilespmem:s3+$0x1A000] =	vst v0;
	v5 =	vor.u32 $0x380, v8;
	v0 =	vld.idx.msk [tilespmem:v10+s9+$0x0], $0xffff  }
0x17f: {  	s6 =	sor.u32 $0x380, s4;
	v14 =	vadd.s32 $0x8100, v4;
	v10 =	vld.idx.msk [tilespmem:v11+s9+$0x0], $0xffff;
	v11 =	vshll.u32 v12, $0x3  }
0x180: {  	v7 =	vadd.s32 $0x8080, v2;
	[tilespmem:s6+$0x1A000] =	vst v9;
	v9 =	vand.u32 $0x7F, v12;
	v11 =	vand.u32 $0xFFFFFC00, v11  }
0x181: {  	s1 =	sor.u32 $0x300, s1;
	s19 =	sor.u32 $0x1B080, s18;
	v12 =	vshll.u32 v13, $0x3;
	v15 =	vld.idx.msk [tilespmem:v15+s9+$0x0], $0xffff;
	v18 =	vor.u32 v9, v11  }
0x182: {  	s7 =	sor.u32 s14, s19;
	v13 =	vand.u32 $0x7F, v13;
	v9 =	vand.u32 $0xFFFFFC00, v12;
	[tilespmem:s1+$0x1A000] =	vst v6;
	v6 =	vld.idx.msk [tilespmem:v1+s9+$0x0], $0xffff  }
0x183: {  	s8 =	sor.u32 s16, s25;
	s5 =	simm.s32 $0x200;
	v16 =	vor.u32 v13, v9;
	v5 =	vld.idx.msk [tilespmem:v5+s9+$0x0], $0xffff;
	[tilespmem:s7+$0x0] =	vst v0  }
0x184: {  	s11 =	sand.u32 $0xC00, s5;
	s22 =	sor.u32 s17, s25;
	s3 =	simm.s32 $0x40;
	[tilespmem:s8+$0x0] =	vst v10;
	v0 =	vor.u32 $0x80, v1;
	v9 =	vld.idx.msk [tilespmem:v14+s9+$0x0], $0xffff  }
0x185: {  	s12 =	sadd.s32 s11, s10;
	s6 =	sand.u32 $0x40, s3;
	v10 =	vadd.s32 $0x8000, v8;
	v7 =	vld.idx.msk [tilespmem:v7+s9+$0x0], $0xffff;
	[dreg:$0x5] =	wrdreg s11  }
0x186: {  	s20 =	sor.u32 $0x1A000, s11;
	v12 =	vadd.s32 $0x8180, v4;
	s1 =	sadd.s32 s6, s12;
	s8 =	sor.u32 $0x30, s6;
	v11 =	vld.idx.msk [tilespmem:v18+s9+$0x0], $0xffff  }
0x187: {  	s0 =	sor.u32 s0, s0;
	v13 =	vadd.s32 $0x8080, v3;
	s12 =	sor.u32 s8, s20;
	v19 =	vld.idx.msk [tilespmem:v19+s1+$0x1000 ss:$0x1], $0xffff;
	[tilespmem:s22+$0x0] =	vst v15  }
0x188: {  	s0 =	sor.u32 $0x380, s0;
	s21 =	sor.u32 $0x1B100, s18;
	v17 =	vor.u32 $0x80, v18;
	v14 =	vld.idx.msk [tilespmem:v16+s9+$0x0], $0xffff;
	[tilespmem:s12+$0x0] =	vst v6  }
0x189: {  	s13 =	sor.u32 s14, s21;
	v6 =	vor.u32 $0x80, v16;
	[tilespmem:s0+$0x1A000] =	vst v5;
	v0 =	vld.idx.msk [tilespmem:v0+s9+$0x0], $0xffff  }
0x18a: {  	s23 =	sor.u32 s16, s19;
	s11 =	sor.u32 $0x10, s6;
	v5 =	vadd.s32 $0x8100, v2;
	v10 =	vld.idx.msk [tilespmem:v10+s9+$0x0], $0xffff;
	[tilespmem:s13+$0x0] =	vst v9  }
0x18b: {  	s10 =	sor.u32 $0x20, s6;
	s1 =	sor.u32 s11, s20;
	v9 =	vor.u32 $0x100, v1;
	[tilespmem:s23+$0x0] =	vst v7;
	v12 =	vld.idx.msk [tilespmem:v12+s9+$0x0], $0xffff  }
0x18c: {  	s7 =	sor.u32 s10, s20;
	v15 =	vadd.s32 $0x8080, v8;
	[tilespmem:s1+$0x0] =	vst v11;
	v11 =	vld.idx.msk [tilespmem:v13+s9+$0x0], $0xffff  }
0x18d: {  	v13 =	vld.idx.msk [tilespmem:v17+s9+$0x0], $0xffff;
	[tilespmem:s7+$0x0] =	vst v14;
	v14 =	vadd.s32 $0x8200, v4  }
0x18e: {  	s24 =	sor.u32 s15, s25;
	s13 =	sor.u32 $0x1B180, s18;
	v7 =	vshll.u32 v19, $0x3;
	v17 =	vadd.s32 $0x8100, v3;
	v6 =	vld.idx.msk [tilespmem:v6+s9+$0x0], $0xffff;
	[tilespmem:s12+$0x80] =	vst v0  }
0x18f: {  	v20 =	vor.u32 $0x100, v18;
	v19 =	vand.u32 $0x7F, v19;
	s25 =	sor.u32 s14, s13;
	v7 =	vand.u32 $0xFFFFFC00, v7;
	v0 =	vld.idx.msk [tilespmem:v5+s9+$0x0], $0xffff;
	[tilespmem:s24+$0x0] =	vst v10  }
0x190: {  	s26 =	sor.u32 s17, s19;
	v27 =	vor.u32 v19, v7;
	v5 =	vld.idx.msk [tilespmem:v9+s9+$0x0], $0xffff;
	[tilespmem:s25+$0x0] =	vst v12  }
0x191: {  	v7 =	vor.u32 $0x100, v16;
	v9 =	vld.idx.msk [tilespmem:v15+s9+$0x0], $0xffff;
	[tilespmem:s26+$0x0] =	vst v11  }
0x192: {  	v10 =	vor.u32 $0x180, v1;
	v11 =	vld.idx.msk [tilespmem:v14+s9+$0x0], $0xffff;
	[tilespmem:s1+$0x80] =	vst v13  }
0x193: {  	s4 =	sor.u32 s16, s21;
	v12 =	vadd.s32 $0x8100, v8;
	v13 =	vld.idx.msk [tilespmem:v17+s9+$0x0], $0xffff;
	[tilespmem:s7+$0x80] =	vst v6  }
0x194: {  	v14 =	vld.idx.msk [tilespmem:v20+s9+$0x0], $0xffff;
	v6 =	vadd.s32 $0x8280, v4;
	[tilespmem:s4+$0x0] =	vst v0  }
0x195: {  	s2 =	sor.u32 $0x1B200, s18;
	s19 =	sor.u32 s15, s19;
	v15 =	vadd.s32 $0x8180, v2;
	v17 =	vld.idx.msk [tilespmem:v27+s9+$0x0], $0xffff;
	[tilespmem:s12+$0x100] =	vst v5  }
0x196: {  	s22 =	sor.u32 s14, s2;
	v0 =	vor.u32 $0x180, v18;
	v7 =	vld.idx.msk [tilespmem:v7+s9+$0x0], $0xffff;
	[tilespmem:s19+$0x0] =	vst v9  }
0x197: {  	s23 =	sor.u32 s17, s21;
	v5 =	vor.u32 $0x80, v27;
	v10 =	vld.idx.msk [tilespmem:v10+s9+$0x0], $0xffff;
	[tilespmem:s22+$0x0] =	vst v11  }
0x198: {  	v9 =	vor.u32 $0x180, v16;
	v12 =	vld.idx.msk [tilespmem:v12+s9+$0x0], $0xffff;
	[tilespmem:s23+$0x0] =	vst v13  }
0x199: {  	s0 =	sor.u32 s6, s20;
	v11 =	vor.u32 $0x200, v1;
	v6 =	vld.idx.msk [tilespmem:v6+s9+$0x0], $0xffff;
	[tilespmem:s1+$0x100] =	vst v14  }
0x19a: {  	v13 =	vadd.s32 $0x8180, v3;
	v14 =	vld.idx.msk [tilespmem:v15+s9+$0x0], $0xffff;
	[tilespmem:s0+$0x0] =	vst v17  }
0x19b: {  	v15 =	vadd.s32 $0x8300, v4;
	v0 =	vld.idx.msk [tilespmem:v0+s9+$0x0], $0xffff;
	[tilespmem:s7+$0x100] =	vst v7  }
0x19c: {  	s24 =	sor.u32 s15, s21;
	v17 =	vadd.s32 $0x8180, v8;
	v5 =	vld.idx.msk [tilespmem:v5+s9+$0x0], $0xffff;
	[tilespmem:s12+$0x180] =	vst v10;
	s12 =	sor.u32 $0x1B280, s18  }
0x19d: {  	p0 =	por !p0, !p0;
	s20 =	simm.s32 $0x1;
	v7 =	vor.u32 $0x200, v18;
	v9 =	vld.idx.msk [tilespmem:v9+s9+$0x0], $0xffff;
	[tilespmem:s24+$0x0] =	vst v12;
	s25 =	sor.u32 s14, s12  }
0x19e: {  	s20 =	simm.s32 @!p0 $0x0;
	s26 =	sor.u32 s16, s13;
	v10 =	vor.u32 $0x100, v27;
	v11 =	vld.idx.msk [tilespmem:v11+s9+$0x0], $0xffff;
	[tilespmem:s25+$0x0] =	vst v6  }
0x19f: {  	s4 =	sshll.u32 s20, $0x6;
	v12 =	vor.u32 $0x200, v16;
	v13 =	vld.idx.msk [tilespmem:v13+s9+$0x0], $0xffff;
	[tilespmem:s26+$0x0] =	vst v14  }
0x1a0: {  	s20 =	sadd.s32 $0x200, s4;
	v6 =	vor.u32 $0x280, v1;
	v14 =	vld.idx.msk [tilespmem:v15+s9+$0x0], $0xffff;
	[tilespmem:s1+$0x180] =	vst v0  }
0x1a1: {  	v15 =	vadd.s32 $0x8200, v2;
	v0 =	vld.idx.msk [tilespmem:v17+s9+$0x0], $0xffff;
	s1 =	sadd.s32 $0x30, s20;
	[tilespmem:s0+$0x80] =	vst v5  }
0x1a2: {  	v17 =	vadd.s32 $0x8200, v3;
	v5 =	vld.idx.msk [tilespmem:v7+s9+$0x0], $0xffff;
	[tilespmem:s7+$0x180] =	vst v9;
	s19 =	sor.u32 $0x200, s1  }
0x1a3: {  	s21 =	sor.u32 s17, s13;
	s4 =	sor.u32 $0x1B300, s18;
	v7 =	vadd.s32 $0x8380, v4;
	v10 =	vld.idx.msk [tilespmem:v10+s9+$0x0], $0xffff;
	[tilespmem:s19+$0x1A000] =	vst v11  }
0x1a4: {  	s22 =	sor.u32 s14, s4;
	v9 =	vor.u32 $0x280, v18;
	v12 =	vld.idx.msk [tilespmem:v12+s9+$0x0], $0xffff;
	[tilespmem:s21+$0x0] =	vst v13  }
0x1a5: {  	s23 =	sor.u32 s15, s13;
	s13 =	sadd.s32 $0x10, s20;
	v11 =	vor.u32 $0x180, v27;
	v20 =	vld.idx.msk [tilespmem:v6+s9+$0x0], $0xffff;
	[tilespmem:s22+$0x0] =	vst v14  }
0x1a6: {  	s24 =	sor.u32 $0x200, s13;
	v13 =	vor.u32 $0x280, v16;
	v15 =	vld.idx.msk [tilespmem:v15+s9+$0x0], $0xffff;
	[tilespmem:s23+$0x0] =	vst v0  }
0x1a7: {  	v21 =	vadd.s32 $0x8280, v2;
	s21 =	sadd.s32 $0x20, s20;
	v14 =	vor.u32 $0x300, v1;
	v24 =	vld.idx.msk [tilespmem:v17+s9+$0x0], $0xffff;
	[tilespmem:s24+$0x1A000] =	vst v5  }
0x1a8: {  	v48 =	vadd.s32 $0x8380, v2;
	v22 =	vadd.s32 $0x8280, v3;
	v46 =	vadd.s32 $0x8380, v3;
	s25 =	sor.u32 $0x200, s21;
	v0 =	vld.idx.msk [tilespmem:v7+s9+$0x0], $0xffff;
	[tilespmem:s0+$0x100] =	vst v10  }
0x1a9: {  	v23 =	vadd.s32 $0x8200, v8;
	v57 =	vadd.s32 $0x8280, v8;
	v49 =	vadd.s32 $0x8300, v8;
	s26 =	sor.u32 $0x280, s1;
	v28 =	vld.idx.msk [tilespmem:v9+s9+$0x0], $0xffff;
	[tilespmem:s25+$0x1A000] =	vst v12  }
0x1aa: {  	v47 =	vadd.s32 $0x8380, v8;
	s5 =	sor.u32 s5, s3;
	v58 =	vor.u32 $0x300, v18;
	v32 =	vor.u32 $0x380, v18;
	s7 =	sor.u32 s16, s2;
	v60 =	vld.idx.msk [tilespmem:v11+s9+$0x0], $0xffff;
	[tilespmem:s26+$0x1A000] =	vst v20  }
0x1ab: {  	s5 =	sor.u32 $0x380, s5;
	v25 =	vadd.s32 $0x8000, v18;
	v31 =	vadd.s32 $0x8300, v18;
	v59 =	vor.u32 $0x300, v16;
	s22 =	sor.u32 $0x1B380, s18;
	v42 =	vld.idx.msk [tilespmem:v13+s9+$0x0], $0xffff;
	[tilespmem:s7+$0x0] =	vst v15  }
0x1ac: {  	v29 =	vor.u32 $0x380, v16;
	v26 =	vadd.s32 $0x8000, v16;
	v30 =	vadd.s32 $0x8300, v16;
	s14 =	sor.u32 s14, s22;
	v61 =	vld.idx.msk [tilespmem:v14+s9+$0x0], $0xffff;
	[dreg:$0x6] =	wrdreg s5  }
0x1ad: {  	v19 =	vadd.s32 $0x8080, v18;
	v38 =	vor.u32 $0x280, v27;
	s31 =	sor.u32 $0x200, s20;
	v20 =	vor.u32 $0x200, v27;
	s26 =	sor.u32 s15, s12;
	[tilespmem:s14+$0x0] =	vst v0  }
0x1ae: {  	v35 =	vor.u32 $0x300, v27;
	v34 =	vor.u32 $0x380, v27;
	v33 =	vadd.s32 $0x8300, v27;
	s23 =	sor.u32 s15, s2;
	s2 =	sor.u32 s17, s2;
	v62 =	vld.idx.msk [tilespmem:v23+s9+$0x0], $0xffff;
	[dreg:$0xd] =	wrdreg s26  }
0x1af: {  	s28 =	sor.u32 $0x280, s20;
	v8 =	vadd.s32 $0x8280, v16;
	s30 =	sor.u32 $0x380, s13;
	v6 =	vadd.s32 $0x8300, v2;
	s14 =	sor.u32 $0x280, s13;
	v0 =	vor.u32 $0x380, v1;
	v63 =	vld.idx.msk [tilespmem:v21+s9+$0x0], $0xffff;
	[tilespmem:s2+$0x0] =	vst v24  }
0x1b0: {  	s29 =	sor.u32 $0x380, s21;
	v17 =	vadd.s32 $0x8080, v16;
	s18 =	sor.u32 s17, s12;
	v7 =	vadd.s32 $0x8300, v3;
	s24 =	sor.u32 $0x280, s21;
	v12 =	vadd.s32 $0x8180, v18;
	[tilespmem:s14+$0x1A000] =	vst v28;
	v39 =	vld.idx.msk [tilespmem:v22+s9+$0x0], $0xffff  }
0x1b1: {  	v10 =	vadd.s32 $0x8200, v18;
	v9 =	vadd.s32 $0x8280, v18;
	s25 =	sor.u32 $0x300, s1;
	v13 =	vadd.s32 $0x8180, v16;
	s7 =	sor.u32 s16, s12;
	s5 =	sor.u32 $0x300, s13;
	[tilespmem:s0+$0x180] =	vst v60;
	v37 =	vld.idx.msk [tilespmem:v58+s9+$0x0], $0xffff  }
0x1b2: {  	v11 =	vadd.s32 $0x8200, v16;
	v14 =	vadd.s32 $0x8100, v18;
	v15 =	vadd.s32 $0x8100, v16;
	s13 =	sor.u32 s15, s4;
	s26 =	sor.u32 $0x300, s20;
	s20 =	smov.u32 s6;
	[tilespmem:s24+$0x1A000] =	vst v42;
	v41 =	vld.idx.msk [tilespmem:v20+s9+$0x0], $0xffff  }
0x1b3: {  	v23 =	vadd.s32 $0x8380, v16;
	v16 =	vadd.s32 $0x8280, v27;
	v21 =	vadd.s32 $0x8380, v18;
	s14 =	sor.u32 $0x300, s21;
	s21 =	smov.u32 s8;
	s24 =	sor.u32 s17, s4;
	[tilespmem:s25+$0x1A000] =	vst v61;
	v42 =	vld.idx.msk [tilespmem:v59+s9+$0x0], $0xffff  }
0x1b4: {  	v28 =	vadd.s32 $0x8000, v27;
	v24 =	vadd.s32 $0x8080, v27;
	v18 =	vadd.s32 $0x8200, v27;
	s8 =	sor.u32 s15, s22;
	s15 =	simm.s32 $0x4;
	s25 =	sor.u32 s16, s4;
	[tilespmem:s23+$0x0] =	vst v62;
	v40 =	vld.idx.msk [tilespmem:v0+s9+$0x0], $0xffff  }
0x1b5: {  	v22 =	vadd.s32 $0x8100, v27;
	v20 =	vadd.s32 $0x8180, v27;
	v27 =	vadd.s32 $0x8380, v27;
	s4 =	sor.u32 s17, s22;
	v36 =	vld.idx.msk [tilespmem:v57+s9+$0x0], $0xffff;
	[tilespmem:s7+$0x0] =	vst v63;
	s7 =	sor.u32 s16, s22;
	s16 =	simm.s32 $0x400  }
.LBB2_5:
0x1b6: {  	v2 =	vmov v30  }
0x1b7: {  	[tilespmem:$0x1FF40] =	vst v2;
	v2 =	vld [tilespmem:$0x1FFE0]  }
0x1b8: {  	[tilespmem:$0x1FF20] =	vst v9  }
0x1b9: {  	[tilespmem:$0x1FF50] =	vst v8  }
0x1ba: {  	s3 =	sadd.s32 $0x40, s3;
	[tilespmem:s18+$0x0] =	vst v39;
	v43 =	vld.idx.msk [tilespmem:v6+s9+$0x0], $0xffff  }
0x1bb: {  	s2 =	sadd.s32 $0x1180, s16;
	v3 =	vmov v31;
	s0 =	sadd.s32 $0x1080, s16;
	s12 =	sadd.s32 $0x230, s3;
	[tilespmem:s31+$0x1A000] =	vst v41;
	v31 =	vld.idx.msk [tilespmem:v7+s9+$0x0], $0xffff  }
0x1bc: {  	v0 =	vadd.s32 $0x8000, v1;
	s6 =	rddreg [dreg:$0x4];
	s2 =	sand.u32 $0x1C00, s2;
	s12 =	sand.u32 $0x70, s12;
	[tilespmem:s5+$0x1A000] =	vst v37;
	v50 =	vld.idx.msk [tilespmem:v38+s9+$0x0], $0xffff  }
0x1bd: {  	s2 =	sadd.s32 s2, s6;
	[tilespmem:s14+$0x1A000] =	vst v42;
	s5 =	sand.u32 $0x1C00, s0;
	s0 =	rddreg [dreg:$0xd];
	v30 =	vld.idx.msk [tilespmem:v32+s9+$0x0], $0xffff  }
0x1be: {  	s1 =	sor.u32 $0x380, s1;
	s2 =	sadd.s32 s12, s2;
	[tilespmem:s0+$0x0] =	vst v36;
	v29 =	vld.idx.msk [tilespmem:v29+s9+$0x0], $0xffff  }
0x1bf: {  	s12 =	sadd.s32 $0x210, s3;
	v51 =	vld.idx.msk [tilespmem:v2+s2+$0x0 ss:$0x1], $0xffff;
	[tilespmem:s1+$0x1A000] =	vst v40  }
0x1c0: {  	s17 =	sadd.s32 $0x1100, s16;
	s18 =	sadd.s32 s5, s6;
	s0 =	sand.u32 $0x50, s12;
	v53 =	vld.idx.msk [tilespmem:v49+s9+$0x0], $0xffff;
	[tilespmem:s25+$0x0] =	vst v43  }
0x1c1: {  	s17 =	sand.u32 $0x1C00, s17;
	s19 =	sadd.s32 $0x220, s3;
	s1 =	sadd.s32 s0, s18;
	[tilespmem:s24+$0x0] =	vst v31;
	v0 =	vld.idx.msk [tilespmem:v0+s9+$0x0], $0xffff  }
0x1c2: {  	s22 =	sadd.s32 s17, s6;
	s2 =	sand.u32 $0x60, s19;
	[tilespmem:s28+$0x1A000] =	vst v50;
	v31 =	vld.idx.msk [tilespmem:v2+s1+$0x0 ss:$0x1], $0xffff  }
0x1c3: {  	v52 =	vadd.s32 $0x8080, v1;
	[tilespmem:$0x1FF30] =	vst v3;
	s2 =	sadd.s32 s2, s22;
	v55 =	vld.idx.msk [tilespmem:v35+s9+$0x0], $0xffff  }
0x1c4: {  	[tilespmem:s30+$0x1A000] =	vst v30;
	s22 =	smov.u32 s8;
	s8 =	rddreg [dreg:$0x5];
	v30 =	vld.idx.msk [tilespmem:v2+s2+$0x0 ss:$0x1], $0xffff  }
0x1c5: {  	s23 =	sor.u32 s16, s3;
	v3 =	vmov v33;
	s18 =	sor.u32 $0x1B000, s8;
	v25 =	vld.idx.msk [tilespmem:v25+s9+$0x0], $0xffff;
	[tilespmem:s29+$0x1A000] =	vst v29  }
0x1c6: {  	[tilespmem:$0x1FF70] =	vst v3;
	s12 =	sor.u32 $0x380, s23;
	s23 =	sor.u32 s21, s18;
	v26 =	vld.idx.msk [tilespmem:v26+s9+$0x0], $0xffff;
	v54 =	vshll.u32 v51, $0x3  }
0x1c7: {  	v57 =	vadd.s32 $0x8100, v1;
	v58 =	vld.idx.msk [tilespmem:v48+s9+$0x0], $0xffff;
	v56 =	vand.u32 $0x7F, v51;
	v32 =	vand.u32 $0xFFFFFC00, v54;
	[tilespmem:s23+$0x0] =	vst v0  }
0x1c8: {  	[tilespmem:s13+$0x0] =	vst v53;
	v29 =	vand.u32 $0x7F, v31;
	v31 =	vshll.u32 v31, $0x3;
	v39 =	vor.u32 v56, v32;
	v0 =	vld.idx.msk [tilespmem:v52+s9+$0x0], $0xffff  }
0x1c9: {  	v9 =	vmovc v21;
	s19 =	sor.u32 s11, s18;
	v59 =	vld.idx.msk [tilespmem:v46+s9+$0x0], $0xffff;
	[tilespmem:s26+$0x1A000] =	vst v55;
	v21 =	vand.u32 $0xFFFFFC00, v31;
	v31 =	vand.u32 $0x7F, v30;
	v30 =	vshll.u32 v30, $0x3  }
0x1ca: {  	v8 =	vmov v23;
	s24 =	sor.u32 s10, s18;
	[tilespmem:s19+$0x0] =	vst v25;
	v21 =	vor.u32 v29, v21;
	v23 =	vand.u32 $0xFFFFFC00, v30;
	v30 =	vld.idx.msk [tilespmem:v47+s9+$0x0], $0xffff  }
0x1cb: {  	s25 =	sor.u32 $0x1B080, s8;
	[tilespmem:s24+$0x0] =	vst v26;
	v62 =	vld.idx.msk [tilespmem:v19+s9+$0x0], $0xffff;
	v23 =	vor.u32 v31, v23  }
0x1cc: {  	s26 =	sor.u32 s21, s25;
	v34 =	vld.idx.msk [tilespmem:v34+s9+$0x0], $0xffff;
	[tilespmem:s7+$0x0] =	vst v58  }
0x1cd: {  	s0 =	sand.u32 $0xC00, s16;
	v31 =	vld.idx.msk [tilespmem:v39+s9+$0x0], $0xffff;
	[tilespmem:s26+$0x0] =	vst v0  }
0x1ce: {  	s17 =	sand.u32 $0x40, s3;
	[dreg:$0x11] =	wrdreg s0;
	[tilespmem:s4+$0x0] =	vst v59;
	v0 =	vor.u32 $0x80, v39;
	v61 =	vld.idx.msk [tilespmem:v57+s9+$0x0], $0xffff  }
0x1cf: {  	s6 =	sadd.s32 s0, s6;
	s14 =	sor.u32 s11, s25;
	s23 =	sor.u32 $0x30, s17;
	v35 =	vld.idx.msk [tilespmem:v21+s9+$0x0], $0xffff;
	[tilespmem:s22+$0x0] =	vst v30  }
0x1d0: {  	v52 =	vadd.s32 $0x8180, v1;
	s7 =	sor.u32 $0x1A000, s0;
	s0 =	sadd.s32 s17, s6;
	s6 =	rddreg [dreg:$0x6];
	[tilespmem:s14+$0x0] =	vst v62;
	v38 =	vld.idx.msk [tilespmem:v23+s9+$0x0], $0xffff  }
0x1d1: {  	v60 =	vor.u32 $0x80, v21;
	s13 =	sor.u32 s23, s7;
	s26 =	sor.u32 $0x1B100, s8;
	v54 =	vld.idx.msk [tilespmem:v2+s0+$0x1000 ss:$0x1], $0xffff;
	[tilespmem:s6+$0x1A000] =	vst v34  }
0x1d2: {  	[dreg:$0x12] =	wrdreg s23;
	s24 =	sor.u32 $0x10, s17;
	v47 =	vor.u32 $0x80, v23;
	s23 =	sor.u32 s21, s26;
	v28 =	vld.idx.msk [tilespmem:v28+s9+$0x0], $0xffff;
	[tilespmem:s13+$0x0] =	vst v31  }
0x1d3: {  	s5 =	sor.u32 s24, s7;
	v0 =	vld.idx.msk [tilespmem:v0+s9+$0x0], $0xffff;
	[tilespmem:s23+$0x0] =	vst v61  }
0x1d4: {  	v3 =	vmov v27;
	s1 =	sor.u32 s20, s25;
	s19 =	sor.u32 s10, s25;
	s25 =	sor.u32 $0x20, s17;
	v63 =	vor.u32 $0x100, v39;
	[tilespmem:s5+$0x0] =	vst v35;
	v35 =	vld.idx.msk [tilespmem:v17+s9+$0x0], $0xffff  }
0x1d5: {  	[tilespmem:$0x1FF60] =	vst v3;
	s0 =	sor.u32 s25, s7;
	v49 =	vld.idx.msk [tilespmem:v52+s9+$0x0], $0xffff  }
0x1d6: {  	s2 =	sor.u32 s20, s18;
	v27 =	vor.u32 $0x100, v21;
	v33 =	vld.idx.msk [tilespmem:v60+s9+$0x0], $0xffff;
	[tilespmem:s0+$0x0] =	vst v38  }
0x1d7: {  	v55 =	vadd.s32 $0x8080, v23;
	v60 =	vand.u32 $0x7F, v54;
	v61 =	vshll.u32 v54, $0x3;
	v54 =	vld.idx.msk [tilespmem:v47+s9+$0x0], $0xffff;
	[tilespmem:s2+$0x0] =	vst v28  }
0x1d8: {  	[dreg:$0x13] =	wrdreg s24;
	v56 =	vadd.s32 $0x8100, v21;
	s18 =	sor.u32 s20, s26;
	v17 =	vmovc v55;
	v55 =	vadd.s32 $0x8200, v1;
	s23 =	sor.u32 $0x1B180, s8;
	v62 =	vand.u32 $0xFFFFFC00, v61;
	[tilespmem:s13+$0x80] =	vst v0;
	v0 =	vld.idx.msk [tilespmem:v14+s9+$0x0], $0xffff  }
0x1d9: {  	s4 =	sor.u32 s11, s26;
	s24 =	sor.u32 s10, s26;
	s26 =	sor.u32 s21, s23;
	v14 =	vmov v56;
	v56 =	vor.u32 v60, v62;
	[tilespmem:s19+$0x0] =	vst v35;
	v60 =	vld.idx.msk [tilespmem:v63+s9+$0x0], $0xffff  }
0x1da: {  	v53 =	vor.u32 $0x100, v23;
	v63 =	vld.idx.msk [tilespmem:v24+s9+$0x0], $0xffff;
	[tilespmem:s26+$0x0] =	vst v49  }
0x1db: {  	v2 =	vor.u32 $0x180, v39;
	[tilespmem:s5+$0x80] =	vst v33;
	v3 =	vld.idx.msk [tilespmem:v15+s9+$0x0], $0xffff  }
0x1dc: {  	v4 =	vld.idx.msk [tilespmem:v27+s9+$0x0], $0xffff;
	[tilespmem:s0+$0x80] =	vst v54  }
0x1dd: {  	v55 =	vld.idx.msk [tilespmem:v55+s9+$0x0], $0xffff;
	[tilespmem:s4+$0x0] =	vst v0  }
0x1de: {  	v5 =	vadd.s32 $0x8280, v1;
	v6 =	vld.idx.msk [tilespmem:v56+s9+$0x0], $0xffff;
	[tilespmem:s13+$0x100] =	vst v60  }
0x1df: {  	v50 =	vor.u32 $0x180, v21;
	v0 =	vld.idx.msk [tilespmem:v53+s9+$0x0], $0xffff;
	[tilespmem:s1+$0x0] =	vst v63  }
0x1e0: {  	s6 =	sor.u32 $0x1B200, s8;
	v61 =	vor.u32 $0x80, v56;
	[tilespmem:s24+$0x0] =	vst v3;
	v2 =	vld.idx.msk [tilespmem:v2+s9+$0x0], $0xffff  }
0x1e1: {  	v51 =	vor.u32 $0x180, v23;
	v58 =	vadd.s32 $0x8100, v23;
	s14 =	smov.u32 s12;
	s12 =	sor.u32 s21, s6;
	v63 =	vld.idx.msk [tilespmem:v22+s9+$0x0], $0xffff;
	[tilespmem:s5+$0x100] =	vst v4  }
0x1e2: {  	s22 =	sor.u32 s17, s7;
	v15 =	vmov v58;
	v58 =	vadd.s32 $0x8100, v56;
	[tilespmem:s12+$0x0] =	vst v55;
	v4 =	vld.idx.msk [tilespmem:v12+s9+$0x0], $0xffff  }
0x1e3: {  	[dreg:$0x14] =	wrdreg s25;
	v22 =	vmov v58;
	v58 =	vor.u32 $0x200, v39;
	v3 =	vld.idx.msk [tilespmem:v5+s9+$0x0], $0xffff;
	[tilespmem:s22+$0x0] =	vst v6  }
0x1e4: {  	p0 =	por !p0, !p0;
	[dreg:$0x6] =	wrdreg s14;
	v5 =	vld.idx.msk [tilespmem:v50+s9+$0x0], $0xffff;
	[tilespmem:s0+$0x100] =	vst v0  }
0x1e5: {  	s25 =	sor.u32 s20, s23;
	s14 =	sor.u32 s10, s23;
	v6 =	vadd.s32 $0x8300, v1;
	v60 =	vld.idx.msk [tilespmem:v61+s9+$0x0], $0xffff;
	[tilespmem:s13+$0x180] =	vst v2;
	s13 =	sor.u32 $0x1B280, s8  }
0x1e6: {  	v45 =	vor.u32 $0x200, v21;
	[dreg:$0x16] =	wrdreg s25;
	s25 =	sor.u32 s11, s23;
	v0 =	vld.idx.msk [tilespmem:v51+s9+$0x0], $0xffff;
	[tilespmem:s18+$0x0] =	vst v63;
	s19 =	sor.u32 s20, s13  }
0x1e7: {  	v62 =	vor.u32 $0x100, v56;
	v61 =	vld.idx.msk [tilespmem:v13+s9+$0x0], $0xffff;
	s23 =	sor.u32 s21, s13;
	[tilespmem:s25+$0x0] =	vst v4;
	[dreg:$0xd] =	wrdreg s19;
	s19 =	simm.s32 $0x1  }
0x1e8: {  	v44 =	vor.u32 $0x200, v23;
	v2 =	vld.idx.msk [tilespmem:v58+s9+$0x0], $0xffff;
	[tilespmem:s23+$0x0] =	vst v3;
	s19 =	simm.s32 @!p0 $0x0  }
0x1e9: {  	v3 =	vor.u32 $0x280, v39;
	[tilespmem:s5+$0x180] =	vst v5;
	v5 =	vld.idx.msk [tilespmem:v20+s9+$0x0], $0xffff;
	s24 =	sshll.u32 s19, $0x6  }
0x1ea: {  	v4 =	vld.idx.msk [tilespmem:v6+s9+$0x0], $0xffff;
	s26 =	sadd.s32 s24, s16  }
0x1eb: {  	s7 =	sor.u32 s20, s6;
	v7 =	vadd.s32 $0x8180, v56;
	v6 =	vld.idx.msk [tilespmem:v45+s9+$0x0], $0xffff;
	[tilespmem:s22+$0x80] =	vst v60;
	s1 =	sadd.s32 $0x30, s26  }
0x1ec: {  	[dreg:$0x15] =	wrdreg s7;
	v20 =	vmov v7;
	v7 =	vadd.s32 $0x8380, v1;
	[tilespmem:s0+$0x180] =	vst v0;
	v62 =	vld.idx.msk [tilespmem:v62+s9+$0x0], $0xffff;
	s19 =	sor.u32 $0x200, s1  }
0x1ed: {  	s7 =	sor.u32 s11, s6;
	s2 =	sor.u32 s10, s6;
	s6 =	sor.u32 $0x1B300, s8;
	v0 =	vld.idx.msk [tilespmem:v44+s9+$0x0], $0xffff;
	[tilespmem:s19+$0x1A000] =	vst v2  }
0x1ee: {  	v41 =	vor.u32 $0x280, v21;
	s29 =	sor.u32 s21, s6;
	[tilespmem:s14+$0x0] =	vst v61;
	s24 =	sadd.s32 $0x10, s26;
	s25 =	sadd.s32 $0x20, s26;
	v2 =	vld.idx.msk [tilespmem:v3+s9+$0x0], $0xffff  }
0x1ef: {  	v46 =	vadd.s32 $0x8200, v23;
	v52 =	vor.u32 $0x180, v56;
	v1 =	vmov v39;
	s4 =	sor.u32 $0x200, s24;
	s0 =	sor.u32 $0x200, s25;
	s14 =	sor.u32 $0x300, s25;
	v3 =	vld.idx.msk [tilespmem:v10+s9+$0x0], $0xffff;
	[tilespmem:s29+$0x0] =	vst v4  }
0x1f0: {  	s19 =	sor.u32 $0x280, s25;
	s29 =	sor.u32 $0x380, s25;
	v4 =	vor.u32 $0x300, v1;
	s25 =	rddreg [dreg:$0x16];
	[tilespmem:s4+$0x1A000] =	vst v6;
	v6 =	vld.idx.msk [tilespmem:v11+s9+$0x0], $0xffff  }
0x1f1: {  	s12 =	sor.u32 s11, s13;
	s18 =	sor.u32 s10, s13;
	s13 =	sor.u32 s20, s6;
	[tilespmem:s25+$0x0] =	vst v5;
	v5 =	vld.idx.msk [tilespmem:v7+s9+$0x0], $0xffff  }
0x1f2: {  	v40 =	vor.u32 $0x280, v23;
	s23 =	sor.u32 $0x280, s24;
	s5 =	sor.u32 $0x300, s24;
	s30 =	sor.u32 $0x380, s24;
	v11 =	vmov v46;
	v46 =	vmov v8;
	v8 =	vld [tilespmem:$0x1FF50];
	[tilespmem:s0+$0x1A000] =	vst v0  }
0x1f3: {  	s24 =	sor.u32 s10, s6;
	s25 =	sor.u32 s11, s6;
	v7 =	vld.idx.msk [tilespmem:v41+s9+$0x0], $0xffff;
	s6 =	sor.u32 $0x280, s1;
	[tilespmem:s22+$0x100] =	vst v62  }
0x1f4: {  	s0 =	sor.u32 $0x1B380, s8;
	v63 =	vld.idx.msk [tilespmem:v52+s9+$0x0], $0xffff;
	[tilespmem:s6+$0x1A000] =	vst v2  }
0x1f5: {  	s21 =	sor.u32 s21, s0;
	v2 =	vld.idx.msk [tilespmem:v4+s9+$0x0], $0xffff  }
0x1f6: {  	v47 =	vor.u32 $0x200, v56;
	[tilespmem:s21+$0x0] =	vst v5;
	v5 =	vld [tilespmem:$0x1FF20]  }
0x1f7: {  	v0 =	vld.idx.msk [tilespmem:v40+s9+$0x0], $0xffff  }
0x1f8: {  	v36 =	vor.u32 $0x300, v23;
	[tilespmem:s7+$0x0] =	vst v3;
	v3 =	vld.idx.msk [tilespmem:v18+s9+$0x0], $0xffff  }
0x1f9: {  	[tilespmem:s2+$0x0] =	vst v6;
	v6 =	vld [tilespmem:$0x1FF30]  }
0x1fa: {  	v4 =	vor.u32 $0x380, v1;
	v39 =	vld.idx.msk [tilespmem:v8+s9+$0x0], $0xffff;
	[tilespmem:s22+$0x180] =	vst v63  }
0x1fb: {  	v37 =	vor.u32 $0x300, v21;
	v32 =	vor.u32 $0x380, v21;
	v25 =	vadd.s32 $0x8000, v21;
	v41 =	vld.idx.msk [tilespmem:v47+s9+$0x0], $0xffff  }
0x1fc: {  	v19 =	vadd.s32 $0x8080, v21;
	v48 =	vadd.s32 $0x8200, v21;
	v42 =	vadd.s32 $0x8280, v23;
	s4 =	rddreg [dreg:$0x11];
	[tilespmem:s19+$0x1A000] =	vst v0;
	v47 =	vld [tilespmem:$0x1FF60]  }
0x1fd: {  	s15 =	sadd.s32 $0x4, s15;
	v43 =	vadd.s32 $0x8280, v21;
	v29 =	vor.u32 $0x380, v23;
	v26 =	vadd.s32 $0x8000, v23;
	s8 =	smov.u32 s4;
	v8 =	vmovc v42;
	s22 =	sor.u32 $0x300, s1;
	v42 =	vld.idx.msk [tilespmem:v36+s9+$0x0], $0xffff  }
0x1fe: {  	p1 =	slt.u32 s15, $0x1C;
	v59 =	vadd.s32 $0x8180, v23;
	v57 =	vadd.s32 $0x8180, v21;
	v30 =	vadd.s32 $0x8300, v23;
	s16 =	sadd.s32 $0x200, s16;
	[dreg:$0x5] =	wrdreg s8;
	[tilespmem:s22+$0x1A000] =	vst v2;
	v5 =	vld.idx.msk [tilespmem:v5+s9+$0x0], $0xffff  }
.Ltmp1:
0x1ff: {  	v23 =	vadd.s32 $0x8380, v23;
	v31 =	vadd.s32 $0x8300, v21;
	v21 =	vadd.s32 $0x8380, v21;
	s4 =	sor.u32 s10, s0;
	s10 =	rddreg [dreg:$0x13];
	v40 =	vld.idx.msk [tilespmem:v4+s9+$0x0], $0xffff;
	(pc) =	sbr.rel @p1 .LBB2_5-.Ltmp1, $4  }
0x200: {  	v38 =	vor.u32 $0x280, v56;
	v35 =	vor.u32 $0x300, v56;
	v34 =	vor.u32 $0x380, v56;
	s31 =	sor.u32 $0x200, s26;
	s28 =	sor.u32 $0x280, s26;
	[tilespmem:s23+$0x1A000] =	vst v7;
	v7 =	vld [tilespmem:$0x1FF40];
	s23 =	rddreg [dreg:$0x15]  }
0x201: {  	v28 =	vadd.s32 $0x8000, v56;
	v24 =	vadd.s32 $0x8080, v56;
	v49 =	vadd.s32 $0x8280, v56;
	s8 =	sor.u32 s20, s0;
	s20 =	smov.u32 s17;
	s17 =	rddreg [dreg:$0x14];
	v37 =	vld.idx.msk [tilespmem:v37+s9+$0x0], $0xffff;
	[tilespmem:s23+$0x0] =	vst v3  }
0x202: {  	v33 =	vadd.s32 $0x8300, v56;
	v54 =	vadd.s32 $0x8200, v56;
	v27 =	vadd.s32 $0x8380, v56;
	v12 =	vmovc v57;
	v13 =	vmovc v59;
	s26 =	sor.u32 $0x300, s26;
	s7 =	sor.u32 s11, s0;
	s6 =	rddreg [dreg:$0x12];
	v36 =	vld.idx.msk [tilespmem:v16+s9+$0x0], $0xffff  }
0x203: {  	v10 =	vmovc v48;
	v48 =	vmovc v9;
	v9 =	vmov v43;
	v18 =	vmov v54;
	s11 =	smov.u32 s10;
	s10 =	smov.u32 s17;
	s21 =	smov.u32 s6;
	v16 =	vmov v49;
	v49 =	vld [tilespmem:$0x1FF70];
	[tilespmem:s12+$0x0] =	vst v5  }
0x204: {  	_ =	sdelay $0x2  }
0x205: {  	[tilespmem:s31+$0x1A000] =	vst v41  }
0x206: {  	v0 =	vld.idx.msk [tilespmem:v38+s9+$0x0], $0xffff;
	_ =	sdelay $0x4  }
0x207: {  	[tilespmem:s28+$0x1A000] =	vst v0  }
0x208: {  	v0 =	vld.idx.msk [tilespmem:v35+s9+$0x0], $0xffff;
	_ =	sdelay $0x1  }
0x209: {  	[tilespmem:s5+$0x1A000] =	vst v37  }
0x20a: {  	[tilespmem:s14+$0x1A000] =	vst v42;
	v3 =	vld.idx.msk [tilespmem:v32+s9+$0x0], $0xffff  }
0x20b: {  	v35 =	vld.idx.msk [tilespmem:v29+s9+$0x0], $0xffff  }
0x20c: {  	v2 =	vadd.s32 $0x8000, v1;
	[tilespmem:s26+$0x1A000] =	vst v0  }
0x20d: {  	s0 =	sor.u32 $0x380, s1;
	v4 =	vld.idx.msk [tilespmem:v34+s9+$0x0], $0xffff  }
0x20e: {  	[tilespmem:s0+$0x1A000] =	vst v40  }
0x20f: {  	[tilespmem:s30+$0x1A000] =	vst v3  }
0x210: {  	[tilespmem:s29+$0x1A000] =	vst v35  }
0x211: {  	v2 =	vld.idx.msk [tilespmem:v2+s9+$0x0], $0xffff;
	s0 =	rddreg [dreg:$0x6]  }
0x212: {  	v37 =	vadd.s32 $0x8080, v1;
	v5 =	vld.idx.msk [tilespmem:v25+s9+$0x0], $0xffff;
	[tilespmem:s0+$0x1A000] =	vst v4  }
0x213: {  	v0 =	vld.idx.msk [tilespmem:v26+s9+$0x0], $0xffff;
	s2 =	rddreg [dreg:$0x5]  }
0x214: {  	v4 =	vld.idx.msk [tilespmem:v28+s9+$0x0], $0xffff;
	s19 =	sor.u32 $0x1B000, s2  }
0x215: {  	s22 =	sor.u32 s21, s19  }
0x216: {  	s23 =	sor.u32 s11, s19;
	[tilespmem:s22+$0x0] =	vst v2  }
0x217: {  	s26 =	sor.u32 s10, s19;
	[tilespmem:s23+$0x0] =	vst v5;
	v2 =	vld.idx.msk [tilespmem:v37+s9+$0x0], $0xffff  }
0x218: {  	v38 =	vadd.s32 $0x8100, v1;
	s0 =	sor.u32 s20, s19;
	[tilespmem:s26+$0x0] =	vst v0;
	v40 =	vld.idx.msk [tilespmem:v19+s9+$0x0], $0xffff  }
0x219: {  	v41 =	vld.idx.msk [tilespmem:v17+s9+$0x0], $0xffff;
	[tilespmem:s0+$0x0] =	vst v4  }
0x21a: {  	s28 =	sor.u32 $0x1B080, s2;
	v4 =	vld.idx.msk [tilespmem:v24+s9+$0x0], $0xffff  }
0x21b: {  	s29 =	sor.u32 s21, s28  }
0x21c: {  	s30 =	sor.u32 s11, s28;
	[tilespmem:s29+$0x0] =	vst v2  }
0x21d: {  	s31 =	sor.u32 s10, s28;
	[tilespmem:s30+$0x0] =	vst v40;
	v42 =	vld.idx.msk [tilespmem:v38+s9+$0x0], $0xffff  }
0x21e: {  	v43 =	vadd.s32 $0x8180, v1;
	s0 =	sor.u32 s20, s28;
	[tilespmem:s31+$0x0] =	vst v41;
	v44 =	vld.idx.msk [tilespmem:v14+s9+$0x0], $0xffff  }
0x21f: {  	v5 =	vld.idx.msk [tilespmem:v15+s9+$0x0], $0xffff;
	[tilespmem:s0+$0x0] =	vst v4  }
0x220: {  	s3 =	sor.u32 $0x1B100, s2;
	v4 =	vld.idx.msk [tilespmem:v22+s9+$0x0], $0xffff  }
0x221: {  	s5 =	sor.u32 s21, s3  }
0x222: {  	s6 =	sor.u32 s11, s3;
	[tilespmem:s5+$0x0] =	vst v42  }
0x223: {  	s12 =	sor.u32 s10, s3;
	[tilespmem:s6+$0x0] =	vst v44;
	v0 =	vld.idx.msk [tilespmem:v43+s9+$0x0], $0xffff  }
0x224: {  	v45 =	vadd.s32 $0x8200, v1;
	s0 =	sor.u32 s20, s3;
	[tilespmem:s12+$0x0] =	vst v5;
	v3 =	vld.idx.msk [tilespmem:v12+s9+$0x0], $0xffff  }
0x225: {  	v50 =	vld.idx.msk [tilespmem:v13+s9+$0x0], $0xffff;
	[tilespmem:s0+$0x0] =	vst v4  }
0x226: {  	s14 =	sor.u32 $0x1B180, s2;
	v51 =	vld.idx.msk [tilespmem:v20+s9+$0x0], $0xffff  }
0x227: {  	s15 =	sor.u32 s21, s14  }
0x228: {  	v6 =	vld.idx.msk [tilespmem:v6+s9+$0x0], $0xffff;
	s16 =	sor.u32 s11, s14;
	[tilespmem:s15+$0x0] =	vst v0  }
0x229: {  	s17 =	sor.u32 s10, s14;
	[tilespmem:s16+$0x0] =	vst v3;
	v0 =	vld.idx.msk [tilespmem:v45+s9+$0x0], $0xffff  }
0x22a: {  	v52 =	vadd.s32 $0x8280, v1;
	s0 =	sor.u32 s20, s14;
	[tilespmem:s17+$0x0] =	vst v50;
	v3 =	vld.idx.msk [tilespmem:v10+s9+$0x0], $0xffff  }
0x22b: {  	v4 =	vld.idx.msk [tilespmem:v11+s9+$0x0], $0xffff;
	[tilespmem:s0+$0x0] =	vst v51  }
0x22c: {  	[tilespmem:s18+$0x0] =	vst v39;
	s19 =	sor.u32 $0x1B200, s2;
	v5 =	vld.idx.msk [tilespmem:v18+s9+$0x0], $0xffff  }
0x22d: {  	v7 =	vld.idx.msk [tilespmem:v7+s9+$0x0], $0xffff;
	s22 =	sor.u32 s21, s19;
	s1 =	rddreg [dreg:$0xd];
	[tilespmem:s25+$0x0] =	vst v6  }
0x22e: {  	s23 =	sor.u32 s11, s19;
	[tilespmem:s22+$0x0] =	vst v0  }
0x22f: {  	s26 =	sor.u32 s10, s19;
	[tilespmem:s23+$0x0] =	vst v3;
	v0 =	vld.idx.msk [tilespmem:v52+s9+$0x0], $0xffff  }
0x230: {  	v53 =	vadd.s32 $0x8300, v1;
	s0 =	sor.u32 s20, s19;
	[tilespmem:s26+$0x0] =	vst v4;
	v3 =	vld.idx.msk [tilespmem:v9+s9+$0x0], $0xffff  }
0x231: {  	v4 =	vld.idx.msk [tilespmem:v8+s9+$0x0], $0xffff;
	[tilespmem:s0+$0x0] =	vst v5  }
0x232: {  	s28 =	sor.u32 $0x1B280, s2;
	[tilespmem:s24+$0x0] =	vst v7;
	v5 =	vld.idx.msk [tilespmem:v16+s9+$0x0], $0xffff  }
0x233: {  	s29 =	sor.u32 s21, s28;
	[tilespmem:s1+$0x0] =	vst v36;
	v55 =	vld.idx.msk [tilespmem:v48+s9+$0x0], $0xffff  }
0x234: {  	s30 =	sor.u32 s11, s28;
	v54 =	vld.idx.msk [tilespmem:v49+s9+$0x0], $0xffff;
	[tilespmem:s29+$0x0] =	vst v0  }
0x235: {  	s31 =	sor.u32 s10, s28;
	[tilespmem:s30+$0x0] =	vst v3;
	v0 =	vld.idx.msk [tilespmem:v53+s9+$0x0], $0xffff  }
0x236: {  	v56 =	vadd.s32 $0x8380, v1;
	s0 =	sor.u32 s20, s28;
	[tilespmem:s31+$0x0] =	vst v4;
	v57 =	vld.idx.msk [tilespmem:v31+s9+$0x0], $0xffff  }
0x237: {  	v58 =	vld.idx.msk [tilespmem:v30+s9+$0x0], $0xffff;
	[tilespmem:s0+$0x0] =	vst v5  }
0x238: {  	s3 =	sor.u32 $0x1B300, s2;
	[tilespmem:s7+$0x0] =	vst v55;
	v59 =	vld.idx.msk [tilespmem:v33+s9+$0x0], $0xffff  }
0x239: {  	s5 =	sor.u32 s21, s3;
	v60 =	vld.idx.msk [tilespmem:v46+s9+$0x0], $0xffff;
	[tilespmem:s13+$0x0] =	vst v54  }
0x23a: {  	s6 =	sor.u32 s11, s3;
	v6 =	vld.idx.msk [tilespmem:v47+s9+$0x0], $0xffff;
	[tilespmem:s5+$0x0] =	vst v0  }
0x23b: {  	s7 =	sor.u32 s10, s3;
	[tilespmem:s6+$0x0] =	vst v57;
	v0 =	vld.idx.msk [tilespmem:v56+s9+$0x0], $0xffff  }
0x23c: {  	s0 =	sor.u32 s20, s3;
	[tilespmem:s7+$0x0] =	vst v58;
	v61 =	vld.idx.msk [tilespmem:v21+s9+$0x0], $0xffff  }
0x23d: {  	v62 =	vld.idx.msk [tilespmem:v23+s9+$0x0], $0xffff;
	[tilespmem:s0+$0x0] =	vst v59  }
0x23e: {  	s12 =	sor.u32 $0x1B380, s2;
	[tilespmem:s4+$0x0] =	vst v60;
	v63 =	vld.idx.msk [tilespmem:v27+s9+$0x0], $0xffff  }
0x23f: {  	s13 =	sor.u32 s21, s12;
	[tilespmem:s8+$0x0] =	vst v6  }
0x240: {  	s14 =	sor.u32 s11, s12;
	[tilespmem:s13+$0x0] =	vst v0  }
0x241: {  	s15 =	sor.u32 s10, s12;
	[tilespmem:s14+$0x0] =	vst v61  }
0x242: {  	s0 =	sor.u32 s20, s12;
	[tilespmem:s15+$0x0] =	vst v62  }
0x243: {  	[tilespmem:s0+$0x0] =	vst v63  }
0x244: {  	s0 =	rddreg [dreg:$0x19]  }
0x245: {  	s16 =	simm.s32 $0x80;
	s1 =	rddreg [dreg:$0x1d]  }
0x246: {  	s17 =	simm.s32 $0x1A000;
	s3 =	simm.s32 $0x100000;
	s0 =	sadd.s32 s1, s0  }
0x247: {  	[hbm4b:s0+s16] =	stream.strided.scatter [tilespmem:s17], [sflag:$0x2], $0x400, s3, s16, $0x38;
	[tilespmem:$0x1C000] =	vst v63  }
0x248: {  	s19 =	simm.s32 $0x1A400;
	s18 =	sadd.s32 $0x80, s0  }
0x249: {  	[hbm4b:s18+s16] =	stream.strided.scatter [tilespmem:s19], [sflag:$0x2], $0x400, s3, s16, $0x38;
	[tilespmem:$0x1C000] =	vst v63  }
0x24a: {  	s21 =	simm.s32 $0x1A800;
	s20 =	sadd.s32 $0x100, s0  }
0x24b: {  	[hbm4b:s20+s16] =	stream.strided.scatter [tilespmem:s21], [sflag:$0x2], $0x400, s3, s16, $0x38;
	[tilespmem:$0x1C000] =	vst v63  }
0x24c: {  	s23 =	simm.s32 $0x1AC00;
	s31 =	rddreg [dreg:$0x1c];
	s22 =	sadd.s32 $0x180, s0  }
0x24d: {  	[hbm4b:s22+s16] =	stream.strided.scatter [tilespmem:s23], [sflag:$0x2], $0x400, s3, s16, $0x38;
	[tilespmem:$0x1C000] =	vst v63  }
0x24e: {  	s24 =	simm.s32 $0x1B000;
	s2 =	sadd.s32 $0x1, s31;
	s0 =	sadd.s32 $0x100000, s0  }
0x24f: {  	[hbm4b:s0+s16] =	stream.strided.scatter [tilespmem:s24], [sflag:$0x2], $0x400, s3, s16, $0x38;
	[tilespmem:$0x1C000] =	vst v63  }
0x250: {  	s26 =	simm.s32 $0x1B400;
	p0 =	sne.s32 s2, $0x20;
	s25 =	sadd.s32 $0x80, s0  }
0x251: {  	[hbm4b:s25+s16] =	stream.strided.scatter [tilespmem:s26], [sflag:$0x2], $0x400, s3, s16, $0x38;
	[tilespmem:$0x1C000] =	vst v63  }
.Ltmp2:
0x252: {  	_ = 	snop;
	(pc) =	sbr.rel @p0 .LBB2_2-.Ltmp2, $4  }
0x253: {  	s29 =	simm.s32 $0x1B800;
	s28 =	sadd.s32 $0x100, s0  }
0x254: {  	[hbm4b:s28+s16] =	stream.strided.scatter [tilespmem:s29], [sflag:$0x2], $0x400, s3, s16, $0x38;
	[tilespmem:$0x1C000] =	vst v63  }
0x255: {  	s30 =	simm.s32 $0x1BC00;
	s0 =	sadd.s32 $0x180, s0  }
0x256: {  	[hbm4b:s0+s16] =	stream.strided.scatter [tilespmem:s30], [sflag:$0x2], $0x400, s3, s16, $0x38;
	[tilespmem:$0x1C000] =	vst v63  }
0x257: {  	s2 =	simm.s32 $0x1  }
0x258: {  	_ =	swait.ge [sflag:s2], $0x2000  }
0x259: {  	[sflag:s2] =	ssyncset.done $0x0  }
0x25a: {  	s3 =	simm.s32 $0x2;
	[sflag:s2] =	ssyncadd.s32 $0xFFFFE000  }
0x25b: {  	_ =	swait.ge [sflag:s3], $0x2000  }
0x25c: {  	s1 =	rddreg [dreg:$0x1b]  }
0x25d: {  	s0 =	rddreg [dreg:$0x1a];
	s1 =	sadd.s32 $0x1, s1  }
0x25e: {  	p0 =	sne.s32 s1, s0  }
.Ltmp3:
0x25f: {  	_ = 	snop;
	(pc) =	sbr.rel @p0 .LBB2_1-.Ltmp3, $3  }
0x260: {  	_ =	sdelay $0x1  }
0x261: {  	[sflag:s3] =	ssyncset.done $0x0  }
0x262: {  	[sflag:s3] =	ssyncadd.s32 $0xFFFFE000  }
0x263: {  	_ =	sfence.sel $0x180000  }
0x264: {  	[bflag:$0x0] =	sbarrier.arrive $0xFFFF  }
0x265: {  	_ =	strace $0x90000047  }
0x266: {  	s0 =	stileid.u32;
	[bflag:$0x2] =	sbarrier.arrive $0xFFFF  }
0x267: {  	p0 =	sne.s32 s0, $0x0;
	s0 =	rddreg [dreg:$0x3]  }
0x268: {  	s0 =	sadd.s32 @!p0 $0x100000, s0  }
0x269: {  	[sflag:s0] =	ssyncadd.tile.s32 @!p0 $0x1;
	_ =	shalt  }
.Lfunc_end2:
_tile_overlayer_lowered:
.L_overlay_start_2:
0x26a: {  	(tag) =	ssettag $0x2  }
0x26b: {  	s0 =	rddreg [dreg:$0x0];
	s2 =	stileid.u32  }
0x26c: {  	s1 =	rddreg [dreg:$0x1];
	p0 =	sne.s32 s2, $0x0  }
0x26d: {  	s3 =	rddreg [dreg:$0x2];
	[bflag:$0x3] =	sbarrier.arrive $0xFFFF;
	s2 =	simm.s32 @!p0 $0x1C03  }
0x26e: {  	[timem:s3], [sflag:s2] =	dma.local @!p0 [hbm:s0], s1  }
0x26f: {  	s0 =	simm.s32 @!p0 $0x3  }
0x270: {  	_ =	swait.ge @!p0 [sflag:s0], s1  }
0x271: {  	s1 =	ssub.s32 @!p0 $0x0, s1;
	[sflag:s0] =	ssyncset.done @!p0 $0x0  }
0x272: {  	[sflag:s0] =	ssyncadd.s32 @!p0 s1  }
0x273: {  	[bflag:$0x3] =	sbarrier.arrive $0xFFFF  }
0x274: {  	_ =	shalt  }

</sc_bundles>
